<compile_context>
chip_gen: v7x
topology: tpu7x:2x2x1
jax: 0.10.2.dev20260603
libtpu: 0.0.44.dev20260713+nightly
codegen_flags: <defaults>
</compile_context>

<pallas_src>
import functools

import jax
import jax.numpy as jnp
from jax import lax
from jax.experimental import pallas as pl
from jax.experimental.pallas import tpu as pltpu
from jax.experimental.pallas import tpu_sc as plsc

B = 64
L = 255
T = 255
H = 256
D = 2 * H
NW = 4
TB = T * 16
CHUNK = 80
NCHUNK = TB // CHUNK
NSLICE = 8
CPT = 7


def _sc_body(trans_hbm, seq_hbm, sp2_hbm, bufw_hbm,
             bq_v, sp2_v, gidx_v, trans_v,
             rows0_v, rows1_v, sem0, sem1):
    wid = lax.axis_index("s") * 2 + lax.axis_index("c")
    grp = wid % NW
    slc = wid // NW

    pltpu.sync_copy(trans_hbm.at[grp], trans_v)
    lane = lax.iota(jnp.int32, 16)
    zeros = jnp.zeros((16,), jnp.int32)
    base = (grp * 16 + lane) * L

    def step(t, carry):
        blen, bptr = carry
        i2 = jnp.clip(blen - 2, 0, T - 1)
        q2 = plsc.load_gather(bq_v, [i2 * 16 + lane])
        sp2 = jnp.where(blen >= 2, q2, zeros)
        m = trans_v[pl.ds(t * 16, 16)]
        sp2_v[pl.ds(t * 16, 16)] = sp2
        gidx_v[pl.ds(t * 16, 16)] = base + jnp.clip(bptr, 0, L - 1)
        nl = jnp.maximum(jnp.where(m == 1, blen - 2, blen), zeros)
        plsc.store_scatter(bq_v, [jnp.clip(nl, 0, T - 1) * 16 + lane],
                           jnp.full((16,), 1, jnp.int32) * (t + 1))
        return (nl + 1, bptr + (1 - m))

    lax.fori_loop(0, T, step, (zeros, zeros))

    @pl.when(slc == 0)
    def _():
        pltpu.sync_copy(sp2_v, sp2_hbm.at[grp])

    bufs = ((rows0_v, sem0), (rows1_v, sem1))

    def start(c):
        cid = c * NSLICE + slc
        rows_v, sem = bufs[c % 2]

        @pl.when(cid < NCHUNK)
        def _():
            pltpu.async_copy(
                seq_hbm.at[gidx_v.at[pl.ds(cid * CHUNK, CHUNK)]], rows_v, sem)

    def drain(c):
        cid = c * NSLICE + slc
        rows_v, sem = bufs[c % 2]

        @pl.when(cid < NCHUNK)
        def _():
            pltpu.make_async_copy(
                seq_hbm.at[gidx_v.at[pl.ds(cid * CHUNK, CHUNK)]],
                rows_v, sem).wait()
            pltpu.sync_copy(rows_v, bufw_hbm.at[grp, pl.ds(cid * CHUNK, CHUNK)])

    start(0)
    for c in range(1, CPT):
        start(c)
        drain(c - 1)
    drain(CPT - 1)


@functools.lru_cache(maxsize=1)
def _make_sc_call():
    return functools.partial(
        pl.kernel,
        out_type=(
            jax.ShapeDtypeStruct((NW, TB), jnp.int32),
            jax.ShapeDtypeStruct((NW, TB, D), jnp.float32),
        ),
        mesh=plsc.VectorSubcoreMesh(core_axis_name="c", subcore_axis_name="s"),
        compiler_params=pltpu.CompilerParams(needs_layout_passes=False),
        scratch_types=[
            pltpu.VMEM((TB,), jnp.int32),
            pltpu.VMEM((TB,), jnp.int32),
            pltpu.VMEM((TB,), jnp.int32),
            pltpu.VMEM((TB,), jnp.int32),
            pltpu.VMEM((CHUNK, D), jnp.float32),
            pltpu.VMEM((CHUNK, D), jnp.float32),
            pltpu.SemaphoreType.DMA,
            pltpu.SemaphoreType.DMA,
        ],
    )(_sc_body)


def _tc_body(s2_ref, bufw_ref, mask_ref, ul_ref, ur_ref, bias_ref,
             out_ref, stack_ref):
    k = pl.program_id(0)

    @pl.when(k == 0)
    def _():
        stack_ref[0] = jnp.zeros((B, D), jnp.float32)

    right = stack_ref[k]

    rows = []
    for b in range(B):
        flat = (b // 16) * TB + k * 16 + (b % 16)
        s2 = s2_ref[flat]
        rows.append(stack_ref[s2, pl.ds(b, 1), :])
    left = jnp.concatenate(rows, axis=0)

    hl = right[:, :H]
    cl = right[:, H:]
    hr = left[:, :H]
    cr = left[:, H:]
    acc = (jnp.dot(hl, ul_ref[:, :], preferred_element_type=jnp.float32)
           + jnp.dot(hr, ur_ref[:, :], preferred_element_type=jnp.float32)
           + bias_ref[:, :])
    i_g = jax.nn.sigmoid(acc[:, 0:H])
    o_g = jax.nn.sigmoid(acc[:, H:2 * H])
    f_g = jax.nn.sigmoid(acc[:, 2 * H:3 * H])
    u_g = jnp.tanh(acc[:, 3 * H:])
    c_j = i_g * u_g + f_g * (cl + cr)
    h_j = o_g * jnp.tanh(c_j)
    hc = jnp.concatenate([h_j, c_j], axis=1)

    m = mask_ref[:, 0, :, :].reshape(B, 1)
    bufv = bufw_ref[:, 0, :, :].reshape(B, D)
    row = m * hc + (1.0 - m) * bufv
    stack_ref[k + 1] = row

    @pl.when(k == T - 1)
    def _():
        out_ref[:, :] = row[:, :H]


_tc_grid_spec = pltpu.PrefetchScalarGridSpec(
    num_scalar_prefetch=1,
    grid=(T,),
    in_specs=[
        pl.BlockSpec((NW, 1, 16, D), lambda i, s2: (0, i, 0, 0)),
        pl.BlockSpec((NW, 1, 16, 1), lambda i, s2: (0, i, 0, 0)),
        pl.BlockSpec((H, 4 * H), lambda i, s2: (0, 0)),
        pl.BlockSpec((H, 4 * H), lambda i, s2: (0, 0)),
        pl.BlockSpec((1, 4 * H), lambda i, s2: (0, 0)),
    ],
    out_specs=pl.BlockSpec((B, H), lambda i, s2: (0, 0)),
    scratch_shapes=[
        pltpu.VMEM((T + 1, B, D), jnp.float32),
    ],
)


def kernel(sequence, transitions, Wi, Wf, Wo, Wu, Uil, Uir, Ufl, Ufr,
           Uol, Uor, Uul, Uur, bi, bf, bo, bu):
    del Wi, Wf, Wo, Wu
    trans32 = transitions.astype(jnp.int32)
    trans_prep = trans32.reshape(NW, 16, T).transpose(0, 2, 1).reshape(NW, TB)
    seqflat = sequence.reshape(B * L, D)

    sp2w, bufw = _make_sc_call()(trans_prep, seqflat)

    sp2flat = sp2w.reshape(NW * TB)
    bufw4 = bufw.reshape(NW, T, 16, D)
    maskf = trans_prep.astype(jnp.float32).reshape(NW, T, 16, 1)

    ULcat = jnp.concatenate([Uil.T, Uol.T, Ufl.T, Uul.T], axis=1)
    URcat = jnp.concatenate([Uir.T, Uor.T, Ufr.T, Uur.T], axis=1)
    bcat = jnp.concatenate([bi, bo, bf, bu]).reshape(1, 4 * H)

    return pl.pallas_call(
        _tc_body,
        grid_spec=_tc_grid_spec,
        out_shape=jax.ShapeDtypeStruct((B, H), jnp.float32),
        compiler_params=pltpu.CompilerParams(
            dimension_semantics=("arbitrary",),
            vmem_limit_bytes=110 * 1024 * 1024),
    )(sp2flat, bufw4, maskf, ULcat, URcat, bcat)

# --- scband reference (transcript-rebuilt; emitter-appended) ---
"""Pipeline reference for scband-stack-encoder-64828236366680 (READ-ONLY COPY).

The authoritative reference and input builder live on the scoring server;
editing this copy changes nothing except your own understanding.
"""

import jax, jax.numpy as jnp
import numpy as np

B, L, T, H = 64, 255, 255, 256


def setup_inputs(seed: int = 0) -> dict:
    key = jax.random.key(seed)
    ks = jax.random.split(key, 24)
    inp = {}
    inp['sequence'] = jax.random.normal(ks[0], (B, L, 2 * H), dtype=jnp.float32)
    inp['transitions'] = jax.random.randint(ks[1], (B, T), 0, 2).astype(jnp.int64)
    wnames = ['Wi', 'Wf', 'Wo', 'Wu', 'Uil', 'Uir', 'Ufl', 'Ufr', 'Uol', 'Uor', 'Uul', 'Uur']
    for i, nm in enumerate(wnames):
        inp[nm] = jax.random.normal(ks[2 + i], (H, H), dtype=jnp.float32) * (1.0 / np.sqrt(H))
    for j, nm in enumerate(['bi', 'bf', 'bo', 'bu']):
        inp[nm] = jax.random.normal(ks[14 + j], (H,), dtype=jnp.float32) * 0.1
    return inp


def _forward(sequence, transitions, Wi, Wf, Wo, Wu, Uil, Uir, Ufl, Ufr, Uol, Uor, Uul, Uur, bi, bf, bo, bu):
    Bv, Lv, D = sequence.shape
    Hh = D // 2
    Tn = transitions.shape[1]
    ar = jnp.arange(Bv)
    # tracking_lstm=None branch: x is a fixed zero vector of size hidden_size
    x = jnp.zeros((Bv, Hh), dtype=sequence.dtype)

    def cell(xx, right, left):
        # BinaryTreeLSTMCell invoked as encoder(x, right, left):
        # cell arg 'left' receives the 'right' tensor and vice versa (faithful to torch code)
        h_left, c_left = right[:, :Hh], right[:, Hh:]
        h_right, c_right = left[:, :Hh], left[:, Hh:]
        i_j = jax.nn.sigmoid(xx @ Wi.T + h_left @ Uil.T + h_right @ Uir.T + bi)
        o_j = jax.nn.sigmoid(xx @ Wo.T + h_left @ Uol.T + h_right @ Uor.T + bo)
        # NOTE: original code uses W_o (not W_f) in both forget gates -- kept faithful
        f_jl = jax.nn.sigmoid(xx @ Wo.T + h_left @ Ufl.T + h_right @ Ufr.T + bf)
        f_jr = jax.nn.sigmoid(xx @ Wo.T + h_left @ Ufl.T + h_right @ Ufr.T + bf)
        u_j = jnp.tanh(xx @ Wu.T + h_left @ Uul.T + h_right @ Uur.T + bu)
        c_j = i_j * u_j + f_jl * c_left + f_jr * c_right
        h_j = o_j * jnp.tanh(c_j)
        return h_j, c_j

    stack0 = jnp.zeros((Bv, Tn + 1, D), dtype=sequence.dtype)
    bq0 = jnp.zeros((Bv, Tn), dtype=jnp.int32)   # backpointer queues (fixed-size, with length counters)
    blen0 = jnp.zeros((Bv,), dtype=jnp.int32)
    bptr0 = jnp.zeros((Bv,), dtype=jnp.int32)
    trT = transitions.T.astype(jnp.int32)
    ts = jnp.arange(1, Tn + 1, dtype=jnp.int32)

    def step(carry, xs):
        stack, bptr, bq, blen = carry
        t, mask = xs
        i1 = jnp.clip(blen - 1, 0, Tn - 1)
        i2 = jnp.clip(blen - 2, 0, Tn - 1)
        sp1 = jnp.where(blen >= 1, bq[ar, i1], 0)  # empty queue -> index 0 (zero row)
        sp2 = jnp.where(blen >= 2, bq[ar, i2], 0)
        right = stack[ar, sp1]
        left = stack[ar, sp2]
        buffer_top = sequence[ar, jnp.clip(bptr, 0, Lv - 1)]
        h_j, c_j = cell(x, right, left)
        stack_tops = jnp.concatenate([h_j, c_j], axis=1)
        new_row = jnp.where((mask == 1)[:, None], stack_tops, buffer_top)
        stack = stack.at[ar, t].set(new_row)
        bptr = bptr + (1 - mask)
        new_len = jnp.maximum(jnp.where(mask == 1, blen - 2, blen), 0)  # python list[:-2] semantics
        bq = bq.at[ar, jnp.clip(new_len, 0, Tn - 1)].set(t)
        blen = new_len + 1
        return (stack, bptr, bq, blen), None

    (stack, _, _, _), _ = jax.lax.scan(step, (stack0, bptr0, bq0, blen0), (ts, trT))
    # stack.split(H, 2)[0].transpose(0,1)[-1] == stack[:, -1, :H]
    return stack[:, Tn, :Hh]


def reference(sequence, transitions, Wi, Wf, Wo, Wu, Uil, Uir, Ufl, Ufr, Uol, Uor, Uul, Uur, bi, bf, bo, bu):
    return _forward(sequence, transitions, Wi, Wf, Wo, Wu, Uil, Uir, Ufl, Ufr, Uol, Uor, Uul, Uur, bi, bf, bo, bu)

if __name__ == "__main__":
    import jax
    _d = setup_inputs()
    print(jax.jit(kernel)(*tuple(_d.values())))

</pallas_src>

<mosaic_0001>
#map = affine_map<(d0, d1) -> (0, 0)>
#map1 = affine_map<(d0, d1) -> (0, 0, 0)>
module attributes {stable_mosaic.version = 14 : i64} {
  func.func @_sc_body(%arg0: i32, %arg1: i32, %arg2: memref<4x4080xi32, #tpu.memory_space<hbm>>, %arg3: memref<16320x512xf32, #tpu.memory_space<hbm>>, %arg4: memref<4x4080xi32, #tpu.memory_space<hbm>>, %arg5: memref<4x4080x512xf32, #tpu.memory_space<hbm>>, %arg6: memref<4080xi32, #tpu.memory_space<vmem>>, %arg7: memref<4080xi32, #tpu.memory_space<vmem>>, %arg8: memref<4080xi32, #tpu.memory_space<vmem>>, %arg9: memref<4080xi32, #tpu.memory_space<vmem>>, %arg10: memref<80x512xf32, #tpu.memory_space<vmem>>, %arg11: memref<80x512xf32, #tpu.memory_space<vmem>>, %arg12: memref<!tpu.dma_semaphore, #tpu.memory_space<semaphore_mem>>, %arg13: memref<!tpu.dma_semaphore, #tpu.memory_space<semaphore_mem>>) attributes {dimension_semantics = [#tpu.dimension_semantics<core_parallel>, #tpu.dimension_semantics<subcore_parallel>], iteration_bounds = array<i64: 2, 16>, scalar_prefetch = 0 : i64, scratch_operands = 8 : i64, tpu.core_type = #tpu.core_type<sc_vector_subcore>, window_params = [{transform_indices = #map}, {transform_indices = #map}, {transform_indices = #map}, {transform_indices = #map1}]} {
    %mul3A = arith.constant 2 : i32
    %mul3A_0 = arith.muli %arg1, %mul3A : i32
    %add3A = arith.addi %mul3A_0, %arg0 : i32
    %jit3A = arith.constant 4 : i32
    %eq3A = arith.constant 0 : i32
    %eq3A_1 = arith.cmpi eq, %jit3A, %eq3A : i32
    %jit3A_2 = arith.constant 1 : i32
    %select_n3A = arith.select %eq3A_1, %jit3A_2, %jit3A : i32
    %rem3A = arith.remsi %add3A, %select_n3A : i32
    %ne3A = arith.constant 0 : i32
    %ne3A_3 = arith.cmpi ne, %rem3A, %ne3A : i32
    %lt3A = arith.constant 0 : i32
    %lt3A_4 = arith.cmpi slt, %rem3A, %lt3A : i32
    %lt3A_5 = arith.constant 0 : i32
    %lt3A_6 = arith.cmpi slt, %select_n3A, %lt3A_5 : i32
    %ne3A_7 = arith.xori %lt3A_4, %lt3A_6 : i1
    %and3A = arith.andi %ne3A_7, %ne3A_3 : i1
    %add3A_8 = arith.addi %rem3A, %select_n3A : i32
    %select_n3A_9 = arith.select %and3A, %add3A_8, %rem3A : i32
    %jit3A_10 = arith.constant 4 : i32
    %div3A = arith.divsi %add3A, %jit3A_10 : i32
    %sign3A = arith.constant 0 : i32
    %sign3A_11 = arith.cmpi sgt, %add3A, %sign3A : i32
    %sign3A_12 = arith.extui %sign3A_11 : i1 to i32
    %sign3A_13 = arith.constant 0 : i32
    %sign3A_14 = arith.cmpi slt, %add3A, %sign3A_13 : i32
    %sign3A_15 = arith.extui %sign3A_14 : i1 to i32
    %sign3A_16 = arith.subi %sign3A_12, %sign3A_15 : i32
    %sign3A_17 = arith.constant 0 : i32
    %sign3A_18 = arith.cmpi sgt, %jit3A_10, %sign3A_17 : i32
    %sign3A_19 = arith.extui %sign3A_18 : i1 to i32
    %sign3A_20 = arith.constant 0 : i32
    %sign3A_21 = arith.cmpi slt, %jit3A_10, %sign3A_20 : i32
    %sign3A_22 = arith.extui %sign3A_21 : i1 to i32
    %sign3A_23 = arith.subi %sign3A_19, %sign3A_22 : i32
    %ne3A_24 = arith.cmpi ne, %sign3A_16, %sign3A_23 : i32
    %rem3A_25 = arith.remsi %add3A, %jit3A_10 : i32
    %ne3A_26 = arith.constant 0 : i32
    %ne3A_27 = arith.cmpi ne, %rem3A_25, %ne3A_26 : i32
    %and3A_28 = arith.andi %ne3A_24, %ne3A_27 : i1
    %sub3A = arith.constant 1 : i32
    %sub3A_29 = arith.subi %div3A, %sub3A : i32
    %select_n3A_30 = arith.select %and3A_28, %sub3A_29, %div3A : i32
    "tpu.region"() ({
      %run_scoped3A = tpu.sem_alloc : memref<!tpu.dma_semaphore, #tpu.memory_space<semaphore_mem>>
      %dma_start3A = arith.constant 0 : i32
      %dma_start3A_145 = tpu.memref_slice %arg2[%select_n3A_9, %dma_start3A] : memref<4x4080xi32, #tpu.memory_space<hbm>> -> memref<1x4080xi32, #tpu.memory_space<hbm>>
      %dma_start3A_146 = tpu.memref_squeeze %dma_start3A_145 : memref<1x4080xi32, #tpu.memory_space<hbm>> -> memref<4080xi32, #tpu.memory_space<hbm>>
      %dma_start3A_147 = arith.constant 0 : i32
      %dma_start3A_148 = tpu.memref_slice %arg2[%select_n3A_9, %dma_start3A_147] : memref<4x4080xi32, #tpu.memory_space<hbm>> -> memref<1x4080xi32, #tpu.memory_space<hbm>>
      %dma_start3A_149 = tpu.memref_squeeze %dma_start3A_148 : memref<1x4080xi32, #tpu.memory_space<hbm>> -> memref<4080xi32, #tpu.memory_space<hbm>>
      tpu.enqueue_dma source(%dma_start3A_149 : memref<4080xi32, #tpu.memory_space<hbm>>) target(%arg9 : memref<4080xi32, #tpu.memory_space<vmem>>) target_semaphore(%run_scoped3A : memref<!tpu.dma_semaphore, #tpu.memory_space<semaphore_mem>>)
      %dma_wait3A = arith.constant 0 : i32
      %dma_wait3A_150 = tpu.memref_slice %arg2[%select_n3A_9, %dma_wait3A] : memref<4x4080xi32, #tpu.memory_space<hbm>> -> memref<1x4080xi32, #tpu.memory_space<hbm>>
      %dma_wait3A_151 = tpu.memref_squeeze %dma_wait3A_150 : memref<1x4080xi32, #tpu.memory_space<hbm>> -> memref<4080xi32, #tpu.memory_space<hbm>>
      %dma_wait3A_152 = arith.constant 0 : i32
      %dma_wait3A_153 = tpu.memref_slice %arg2[%select_n3A_9, %dma_wait3A_152] : memref<4x4080xi32, #tpu.memory_space<hbm>> -> memref<1x4080xi32, #tpu.memory_space<hbm>>
      %dma_wait3A_154 = tpu.memref_squeeze %dma_wait3A_153 : memref<1x4080xi32, #tpu.memory_space<hbm>> -> memref<4080xi32, #tpu.memory_space<hbm>>
      tpu.wait_dma2 semaphore(%run_scoped3A : memref<!tpu.dma_semaphore, #tpu.memory_space<semaphore_mem>>) src(%dma_wait3A_154 : memref<4080xi32, #tpu.memory_space<hbm>>) dst(%arg9 : memref<4080xi32, #tpu.memory_space<vmem>>)
      tpu.yield
    }) : () -> ()
    %iota3A = tpu.iota {dimensions = array<i32: 0>} : vector<16xi32>
    %broadcast_in_dim3A = arith.constant 0 : i32
    %broadcast_in_dim3A_31 = vector.broadcast %broadcast_in_dim3A : i32 to vector<16xi32>
    %mul3A_32 = arith.constant 16 : i32
    %mul3A_33 = arith.muli %select_n3A_9, %mul3A_32 : i32
    %add3A_34 = vector.broadcast %mul3A_33 : i32 to vector<16xi32>
    %add3A_35 = arith.addi %add3A_34, %iota3A : vector<16xi32>
    %mul3A_36 = arith.constant 255 : i32
    %mul3A_37 = vector.broadcast %mul3A_36 : i32 to vector<16xi32>
    %mul3A_38 = arith.muli %add3A_35, %mul3A_37 : vector<16xi32>
    %scan3A = arith.constant 0 : i32
    %scan3A_39 = arith.constant 255 : i32
    %scan3A_40 = arith.addi %scan3A, %scan3A_39 : i32
    %scan3A_41 = arith.constant 1 : i32
    %scan3A_42:2 = scf.for %scan3A_145 = %scan3A to %scan3A_40 step %scan3A_41 iter_args(%scan3A_146 = %broadcast_in_dim3A_31, %scan3A_147 = %broadcast_in_dim3A_31) -> (vector<16xi32>, vector<16xi32>)  : i32 {
      %sub3A_148 = arith.constant 2 : i32
      %sub3A_149 = vector.broadcast %sub3A_148 : i32 to vector<16xi32>
      %sub3A_150 = arith.subi %scan3A_146, %sub3A_149 : vector<16xi32>
      %jit3A_151 = arith.constant 0 : i32
      %jit3A_152 = arith.constant 254 : i32
      %max3A = vector.broadcast %jit3A_151 : i32 to vector<16xi32>
      %max3A_153 = arith.maxsi %max3A, %sub3A_150 : vector<16xi32>
      %min3A = vector.broadcast %jit3A_152 : i32 to vector<16xi32>
      %min3A_154 = arith.minsi %min3A, %max3A_153 : vector<16xi32>
      %mul3A_155 = arith.constant 16 : i32
      %mul3A_156 = vector.broadcast %mul3A_155 : i32 to vector<16xi32>
      %mul3A_157 = arith.muli %min3A_154, %mul3A_156 : vector<16xi32>
      %add3A_158 = arith.addi %mul3A_157, %iota3A : vector<16xi32>
      %gather3A = tpu.vector_load_idx %arg6[%add3A_158] : memref<4080xi32, #tpu.memory_space<vmem>>[vector<16xi32>], vector<16xi32>,
      %ge3A = arith.constant 2 : i32
      %ge3A_159 = vector.broadcast %ge3A : i32 to vector<16xi32>
      %ge3A_160 = arith.cmpi sge, %scan3A_146, %ge3A_159 : vector<16xi32>
      %select_n3A_161 = arith.select %ge3A_160, %gather3A, %broadcast_in_dim3A_31 : vector<16xi1>, vector<16xi32>
      %mul3A_162 = arith.constant 16 : i32
      %mul3A_163 = arith.muli %scan3A_145, %mul3A_162 : i32
      %get3A = arith.index_cast %mul3A_163 : i32 to index
      %get3A_164 = tpu.vector_load %arg9[%get3A] {strides = array<i32>} : memref<4080xi32, #tpu.memory_space<vmem>>, vector<16xi32>,
      %mul3A_165 = arith.constant 16 : i32
      %mul3A_166 = arith.muli %scan3A_145, %mul3A_165 : i32
      %swap3A = arith.index_cast %mul3A_166 : i32 to index
      %swap3A_167 = tpu.vector_load %arg7[%swap3A] {strides = array<i32>} : memref<4080xi32, #tpu.memory_space<vmem>>, vector<16xi32>,
      tpu.vector_store %arg7[%swap3A], %select_n3A_161 {strides = array<i32>} : memref<4080xi32, #tpu.memory_space<vmem>>, vector<16xi32>,
      %jit3A_168 = arith.constant 0 : i32
      %jit3A_169 = arith.constant 254 : i32
      %max3A_170 = vector.broadcast %jit3A_168 : i32 to vector<16xi32>
      %max3A_171 = arith.maxsi %max3A_170, %scan3A_147 : vector<16xi32>
      %min3A_172 = vector.broadcast %jit3A_169 : i32 to vector<16xi32>
      %min3A_173 = arith.minsi %min3A_172, %max3A_171 : vector<16xi32>
      %add3A_174 = arith.addi %mul3A_38, %min3A_173 : vector<16xi32>
      %mul3A_175 = arith.constant 16 : i32
      %mul3A_176 = arith.muli %scan3A_145, %mul3A_175 : i32
      %swap3A_177 = arith.index_cast %mul3A_176 : i32 to index
      %swap3A_178 = tpu.vector_load %arg8[%swap3A_177] {strides = array<i32>} : memref<4080xi32, #tpu.memory_space<vmem>>, vector<16xi32>,
      tpu.vector_store %arg8[%swap3A_177], %add3A_174 {strides = array<i32>} : memref<4080xi32, #tpu.memory_space<vmem>>, vector<16xi32>,
      %eq3A_179 = arith.constant 1 : i32
      %eq3A_180 = vector.broadcast %eq3A_179 : i32 to vector<16xi32>
      %eq3A_181 = arith.cmpi eq, %get3A_164, %eq3A_180 : vector<16xi32>
      %sub3A_182 = arith.constant 2 : i32
      %sub3A_183 = vector.broadcast %sub3A_182 : i32 to vector<16xi32>
      %sub3A_184 = arith.subi %scan3A_146, %sub3A_183 : vector<16xi32>
      %select_n3A_185 = arith.select %eq3A_181, %sub3A_184, %scan3A_146 : vector<16xi1>, vector<16xi32>
      %max3A_186 = arith.maxsi %select_n3A_185, %broadcast_in_dim3A_31 : vector<16xi32>
      %jit3A_187 = arith.constant 0 : i32
      %jit3A_188 = arith.constant 254 : i32
      %max3A_189 = vector.broadcast %jit3A_187 : i32 to vector<16xi32>
      %max3A_190 = arith.maxsi %max3A_189, %max3A_186 : vector<16xi32>
      %min3A_191 = vector.broadcast %jit3A_188 : i32 to vector<16xi32>
      %min3A_192 = arith.minsi %min3A_191, %max3A_190 : vector<16xi32>
      %mul3A_193 = arith.constant 16 : i32
      %mul3A_194 = vector.broadcast %mul3A_193 : i32 to vector<16xi32>
      %mul3A_195 = arith.muli %min3A_192, %mul3A_194 : vector<16xi32>
      %add3A_196 = arith.addi %mul3A_195, %iota3A : vector<16xi32>
      %broadcast_in_dim3A_197 = arith.constant 1 : i32
      %broadcast_in_dim3A_198 = vector.broadcast %broadcast_in_dim3A_197 : i32 to vector<16xi32>
      %add3A_199 = arith.constant 1 : i32
      %add3A_200 = arith.addi %scan3A_145, %add3A_199 : i32
      %mul3A_201 = vector.broadcast %add3A_200 : i32 to vector<16xi32>
      %mul3A_202 = arith.muli %broadcast_in_dim3A_198, %mul3A_201 : vector<16xi32>
      tpu.vector_store_idx %arg6[%add3A_196], %mul3A_202 : memref<4080xi32, #tpu.memory_space<vmem>>[vector<16xi32>], vector<16xi32>,
      %add3A_203 = arith.constant 1 : i32
      %add3A_204 = vector.broadcast %add3A_203 : i32 to vector<16xi32>
      %add3A_205 = arith.addi %max3A_186, %add3A_204 : vector<16xi32>
      %sub3A_206 = arith.constant 1 : i32
      %sub3A_207 = vector.broadcast %sub3A_206 : i32 to vector<16xi32>
      %sub3A_208 = arith.subi %sub3A_207, %get3A_164 : vector<16xi32>
      %add3A_209 = arith.addi %scan3A_147, %sub3A_208 : vector<16xi32>
      scf.yield %add3A_205, %add3A_209 : vector<16xi32>, vector<16xi32>
    }
    %scan3A_43 = arith.constant 255 : i32
    %eq3A_44 = arith.constant 0 : i32
    %eq3A_45 = arith.cmpi eq, %select_n3A_30, %eq3A_44 : i32
    %convert_element_type3A = arith.extui %eq3A_45 : i1 to i32
    %cond3A = arith.constant 0 : i32
    %cond3A_46 = arith.cmpi ne, %convert_element_type3A, %cond3A : i32
    scf.if %cond3A_46 {
      "tpu.region"() ({
        %run_scoped3A = tpu.sem_alloc : memref<!tpu.dma_semaphore, #tpu.memory_space<semaphore_mem>>
        %dma_start3A = arith.constant 0 : i32
        %dma_start3A_145 = tpu.memref_slice %arg4[%select_n3A_9, %dma_start3A] : memref<4x4080xi32, #tpu.memory_space<hbm>> -> memref<1x4080xi32, #tpu.memory_space<hbm>>
        %dma_start3A_146 = tpu.memref_squeeze %dma_start3A_145 : memref<1x4080xi32, #tpu.memory_space<hbm>> -> memref<4080xi32, #tpu.memory_space<hbm>>
        %dma_start3A_147 = arith.constant 0 : i32
        %dma_start3A_148 = tpu.memref_slice %arg4[%select_n3A_9, %dma_start3A_147] : memref<4x4080xi32, #tpu.memory_space<hbm>> -> memref<1x4080xi32, #tpu.memory_space<hbm>>
        %dma_start3A_149 = tpu.memref_squeeze %dma_start3A_148 : memref<1x4080xi32, #tpu.memory_space<hbm>> -> memref<4080xi32, #tpu.memory_space<hbm>>
        tpu.enqueue_dma source(%arg7 : memref<4080xi32, #tpu.memory_space<vmem>>) target(%dma_start3A_149 : memref<4080xi32, #tpu.memory_space<hbm>>) target_semaphore(%run_scoped3A : memref<!tpu.dma_semaphore, #tpu.memory_space<semaphore_mem>>)
        %dma_wait3A = arith.constant 0 : i32
        %dma_wait3A_150 = tpu.memref_slice %arg4[%select_n3A_9, %dma_wait3A] : memref<4x4080xi32, #tpu.memory_space<hbm>> -> memref<1x4080xi32, #tpu.memory_space<hbm>>
        %dma_wait3A_151 = tpu.memref_squeeze %dma_wait3A_150 : memref<1x4080xi32, #tpu.memory_space<hbm>> -> memref<4080xi32, #tpu.memory_space<hbm>>
        %dma_wait3A_152 = arith.constant 0 : i32
        %dma_wait3A_153 = tpu.memref_slice %arg4[%select_n3A_9, %dma_wait3A_152] : memref<4x4080xi32, #tpu.memory_space<hbm>> -> memref<1x4080xi32, #tpu.memory_space<hbm>>
        %dma_wait3A_154 = tpu.memref_squeeze %dma_wait3A_153 : memref<1x4080xi32, #tpu.memory_space<hbm>> -> memref<4080xi32, #tpu.memory_space<hbm>>
        tpu.wait_dma2 semaphore(%run_scoped3A : memref<!tpu.dma_semaphore, #tpu.memory_space<semaphore_mem>>) src(%arg7 : memref<4080xi32, #tpu.memory_space<vmem>>) dst(%dma_wait3A_154 : memref<4080xi32, #tpu.memory_space<hbm>>)
        tpu.yield
      }) : () -> ()
    } else {
    }
    %add3A_47 = arith.constant 0 : i32
    %add3A_48 = arith.addi %add3A_47, %select_n3A_30 : i32
    %lt3A_49 = arith.constant 51 : i32
    %lt3A_50 = arith.cmpi slt, %add3A_48, %lt3A_49 : i32
    %convert_element_type3A_51 = arith.extui %lt3A_50 : i1 to i32
    %cond3A_52 = arith.constant 0 : i32
    %cond3A_53 = arith.cmpi ne, %convert_element_type3A_51, %cond3A_52 : i32
    scf.if %cond3A_53 {
      %mul3A_145 = arith.constant 80 : i32
      %mul3A_146 = arith.muli %add3A_48, %mul3A_145 : i32
      %dma_start3A = tpu.memref_slice %arg8[%mul3A_146] : memref<4080xi32, #tpu.memory_space<vmem>> -> memref<80xi32, #tpu.memory_space<vmem>>
      %dma_start3A_147 = arith.constant 0 : i32
      %dma_start3A_148 = arith.constant 0 : i32
      %dma_start3A_149 = tpu.memref_slice %arg3[%dma_start3A_147, %dma_start3A_148] : memref<16320x512xf32, #tpu.memory_space<hbm>> -> memref<16320x512xf32, #tpu.memory_space<hbm>>
      tpu.enqueue_indirect_dma source(%dma_start3A_149 : memref<16320x512xf32, #tpu.memory_space<hbm>>) target(%arg10 : memref<80x512xf32, #tpu.memory_space<vmem>>) offsets(%dma_start3A : memref<80xi32, #tpu.memory_space<vmem>>) semaphore(%arg12 : memref<!tpu.dma_semaphore, #tpu.memory_space<semaphore_mem>>)
    } else {
    }
    %add3A_54 = arith.constant 8 : i32
    %add3A_55 = arith.addi %add3A_54, %select_n3A_30 : i32
    %lt3A_56 = arith.constant 51 : i32
    %lt3A_57 = arith.cmpi slt, %add3A_55, %lt3A_56 : i32
    %convert_element_type3A_58 = arith.extui %lt3A_57 : i1 to i32
    %cond3A_59 = arith.constant 0 : i32
    %cond3A_60 = arith.cmpi ne, %convert_element_type3A_58, %cond3A_59 : i32
    scf.if %cond3A_60 {
      %mul3A_145 = arith.constant 80 : i32
      %mul3A_146 = arith.muli %add3A_55, %mul3A_145 : i32
      %dma_start3A = tpu.memref_slice %arg8[%mul3A_146] : memref<4080xi32, #tpu.memory_space<vmem>> -> memref<80xi32, #tpu.memory_space<vmem>>
      %dma_start3A_147 = arith.constant 0 : i32
      %dma_start3A_148 = arith.constant 0 : i32
      %dma_start3A_149 = tpu.memref_slice %arg3[%dma_start3A_147, %dma_start3A_148] : memref<16320x512xf32, #tpu.memory_space<hbm>> -> memref<16320x512xf32, #tpu.memory_space<hbm>>
      tpu.enqueue_indirect_dma source(%dma_start3A_149 : memref<16320x512xf32, #tpu.memory_space<hbm>>) target(%arg11 : memref<80x512xf32, #tpu.memory_space<vmem>>) offsets(%dma_start3A : memref<80xi32, #tpu.memory_space<vmem>>) semaphore(%arg13 : memref<!tpu.dma_semaphore, #tpu.memory_space<semaphore_mem>>)
    } else {
    }
    %add3A_61 = arith.constant 0 : i32
    %add3A_62 = arith.addi %add3A_61, %select_n3A_30 : i32
    %lt3A_63 = arith.constant 51 : i32
    %lt3A_64 = arith.cmpi slt, %add3A_62, %lt3A_63 : i32
    %convert_element_type3A_65 = arith.extui %lt3A_64 : i1 to i32
    %cond3A_66 = arith.constant 0 : i32
    %cond3A_67 = arith.cmpi ne, %convert_element_type3A_65, %cond3A_66 : i32
    scf.if %cond3A_67 {
      %mul3A_145 = arith.constant 80 : i32
      %mul3A_146 = arith.muli %add3A_62, %mul3A_145 : i32
      %dma_wait3A = tpu.memref_slice %arg8[%mul3A_146] : memref<4080xi32, #tpu.memory_space<vmem>> -> memref<80xi32, #tpu.memory_space<vmem>>
      %dma_wait3A_147 = arith.constant 0 : i32
      %dma_wait3A_148 = arith.constant 0 : i32
      %dma_wait3A_149 = tpu.memref_slice %arg3[%dma_wait3A_147, %dma_wait3A_148] : memref<16320x512xf32, #tpu.memory_space<hbm>> -> memref<16320x512xf32, #tpu.memory_space<hbm>>
      tpu.wait_indirect_dma semaphore(%arg12 : memref<!tpu.dma_semaphore, #tpu.memory_space<semaphore_mem>>) src(%dma_wait3A_149 : memref<16320x512xf32, #tpu.memory_space<hbm>>) dst(%arg10 : memref<80x512xf32, #tpu.memory_space<vmem>>)
      %mul3A_150 = arith.constant 80 : i32
      %mul3A_151 = arith.muli %add3A_62, %mul3A_150 : i32
      "tpu.region"() ({
        %run_scoped3A = tpu.sem_alloc : memref<!tpu.dma_semaphore, #tpu.memory_space<semaphore_mem>>
        %dma_start3A = arith.constant 0 : i32
        %dma_start3A_152 = tpu.memref_slice %arg5[%select_n3A_9, %mul3A_151, %dma_start3A] : memref<4x4080x512xf32, #tpu.memory_space<hbm>> -> memref<1x80x512xf32, #tpu.memory_space<hbm>>
        %dma_start3A_153 = tpu.memref_squeeze %dma_start3A_152 : memref<1x80x512xf32, #tpu.memory_space<hbm>> -> memref<80x512xf32, #tpu.memory_space<hbm>>
        %dma_start3A_154 = arith.constant 0 : i32
        %dma_start3A_155 = tpu.memref_slice %arg5[%select_n3A_9, %mul3A_151, %dma_start3A_154] : memref<4x4080x512xf32, #tpu.memory_space<hbm>> -> memref<1x80x512xf32, #tpu.memory_space<hbm>>
        %dma_start3A_156 = tpu.memref_squeeze %dma_start3A_155 : memref<1x80x512xf32, #tpu.memory_space<hbm>> -> memref<80x512xf32, #tpu.memory_space<hbm>>
        tpu.enqueue_dma source(%arg10 : memref<80x512xf32, #tpu.memory_space<vmem>>) target(%dma_start3A_156 : memref<80x512xf32, #tpu.memory_space<hbm>>) target_semaphore(%run_scoped3A : memref<!tpu.dma_semaphore, #tpu.memory_space<semaphore_mem>>)
        %dma_wait3A_157 = arith.constant 0 : i32
        %dma_wait3A_158 = tpu.memref_slice %arg5[%select_n3A_9, %mul3A_151, %dma_wait3A_157] : memref<4x4080x512xf32, #tpu.memory_space<hbm>> -> memref<1x80x512xf32, #tpu.memory_space<hbm>>
        %dma_wait3A_159 = tpu.memref_squeeze %dma_wait3A_158 : memref<1x80x512xf32, #tpu.memory_space<hbm>> -> memref<80x512xf32, #tpu.memory_space<hbm>>
        %dma_wait3A_160 = arith.constant 0 : i32
        %dma_wait3A_161 = tpu.memref_slice %arg5[%select_n3A_9, %mul3A_151, %dma_wait3A_160] : memref<4x4080x512xf32, #tpu.memory_space<hbm>> -> memref<1x80x512xf32, #tpu.memory_space<hbm>>
        %dma_wait3A_162 = tpu.memref_squeeze %dma_wait3A_161 : memref<1x80x512xf32, #tpu.memory_space<hbm>> -> memref<80x512xf32, #tpu.memory_space<hbm>>
        tpu.wait_dma2 semaphore(%run_scoped3A : memref<!tpu.dma_semaphore, #tpu.memory_space<semaphore_mem>>) src(%arg10 : memref<80x512xf32, #tpu.memory_space<vmem>>) dst(%dma_wait3A_162 : memref<80x512xf32, #tpu.memory_space<hbm>>)
        tpu.yield
      }) : () -> ()
    } else {
    }
    %add3A_68 = arith.constant 16 : i32
    %add3A_69 = arith.addi %add3A_68, %select_n3A_30 : i32
    %lt3A_70 = arith.constant 51 : i32
    %lt3A_71 = arith.cmpi slt, %add3A_69, %lt3A_70 : i32
    %convert_element_type3A_72 = arith.extui %lt3A_71 : i1 to i32
    %cond3A_73 = arith.constant 0 : i32
    %cond3A_74 = arith.cmpi ne, %convert_element_type3A_72, %cond3A_73 : i32
    scf.if %cond3A_74 {
      %mul3A_145 = arith.constant 80 : i32
      %mul3A_146 = arith.muli %add3A_69, %mul3A_145 : i32
      %dma_start3A = tpu.memref_slice %arg8[%mul3A_146] : memref<4080xi32, #tpu.memory_space<vmem>> -> memref<80xi32, #tpu.memory_space<vmem>>
      %dma_start3A_147 = arith.constant 0 : i32
      %dma_start3A_148 = arith.constant 0 : i32
      %dma_start3A_149 = tpu.memref_slice %arg3[%dma_start3A_147, %dma_start3A_148] : memref<16320x512xf32, #tpu.memory_space<hbm>> -> memref<16320x512xf32, #tpu.memory_space<hbm>>
      tpu.enqueue_indirect_dma source(%dma_start3A_149 : memref<16320x512xf32, #tpu.memory_space<hbm>>) target(%arg10 : memref<80x512xf32, #tpu.memory_space<vmem>>) offsets(%dma_start3A : memref<80xi32, #tpu.memory_space<vmem>>) semaphore(%arg12 : memref<!tpu.dma_semaphore, #tpu.memory_space<semaphore_mem>>)
    } else {
    }
    %add3A_75 = arith.constant 8 : i32
    %add3A_76 = arith.addi %add3A_75, %select_n3A_30 : i32
    %lt3A_77 = arith.constant 51 : i32
    %lt3A_78 = arith.cmpi slt, %add3A_76, %lt3A_77 : i32
    %convert_element_type3A_79 = arith.extui %lt3A_78 : i1 to i32
    %cond3A_80 = arith.constant 0 : i32
    %cond3A_81 = arith.cmpi ne, %convert_element_type3A_79, %cond3A_80 : i32
    scf.if %cond3A_81 {
      %mul3A_145 = arith.constant 80 : i32
      %mul3A_146 = arith.muli %add3A_76, %mul3A_145 : i32
      %dma_wait3A = tpu.memref_slice %arg8[%mul3A_146] : memref<4080xi32, #tpu.memory_space<vmem>> -> memref<80xi32, #tpu.memory_space<vmem>>
      %dma_wait3A_147 = arith.constant 0 : i32
      %dma_wait3A_148 = arith.constant 0 : i32
      %dma_wait3A_149 = tpu.memref_slice %arg3[%dma_wait3A_147, %dma_wait3A_148] : memref<16320x512xf32, #tpu.memory_space<hbm>> -> memref<16320x512xf32, #tpu.memory_space<hbm>>
      tpu.wait_indirect_dma semaphore(%arg13 : memref<!tpu.dma_semaphore, #tpu.memory_space<semaphore_mem>>) src(%dma_wait3A_149 : memref<16320x512xf32, #tpu.memory_space<hbm>>) dst(%arg11 : memref<80x512xf32, #tpu.memory_space<vmem>>)
      %mul3A_150 = arith.constant 80 : i32
      %mul3A_151 = arith.muli %add3A_76, %mul3A_150 : i32
      "tpu.region"() ({
        %run_scoped3A = tpu.sem_alloc : memref<!tpu.dma_semaphore, #tpu.memory_space<semaphore_mem>>
        %dma_start3A = arith.constant 0 : i32
        %dma_start3A_152 = tpu.memref_slice %arg5[%select_n3A_9, %mul3A_151, %dma_start3A] : memref<4x4080x512xf32, #tpu.memory_space<hbm>> -> memref<1x80x512xf32, #tpu.memory_space<hbm>>
        %dma_start3A_153 = tpu.memref_squeeze %dma_start3A_152 : memref<1x80x512xf32, #tpu.memory_space<hbm>> -> memref<80x512xf32, #tpu.memory_space<hbm>>
        %dma_start3A_154 = arith.constant 0 : i32
        %dma_start3A_155 = tpu.memref_slice %arg5[%select_n3A_9, %mul3A_151, %dma_start3A_154] : memref<4x4080x512xf32, #tpu.memory_space<hbm>> -> memref<1x80x512xf32, #tpu.memory_space<hbm>>
        %dma_start3A_156 = tpu.memref_squeeze %dma_start3A_155 : memref<1x80x512xf32, #tpu.memory_space<hbm>> -> memref<80x512xf32, #tpu.memory_space<hbm>>
        tpu.enqueue_dma source(%arg11 : memref<80x512xf32, #tpu.memory_space<vmem>>) target(%dma_start3A_156 : memref<80x512xf32, #tpu.memory_space<hbm>>) target_semaphore(%run_scoped3A : memref<!tpu.dma_semaphore, #tpu.memory_space<semaphore_mem>>)
        %dma_wait3A_157 = arith.constant 0 : i32
        %dma_wait3A_158 = tpu.memref_slice %arg5[%select_n3A_9, %mul3A_151, %dma_wait3A_157] : memref<4x4080x512xf32, #tpu.memory_space<hbm>> -> memref<1x80x512xf32, #tpu.memory_space<hbm>>
        %dma_wait3A_159 = tpu.memref_squeeze %dma_wait3A_158 : memref<1x80x512xf32, #tpu.memory_space<hbm>> -> memref<80x512xf32, #tpu.memory_space<hbm>>
        %dma_wait3A_160 = arith.constant 0 : i32
        %dma_wait3A_161 = tpu.memref_slice %arg5[%select_n3A_9, %mul3A_151, %dma_wait3A_160] : memref<4x4080x512xf32, #tpu.memory_space<hbm>> -> memref<1x80x512xf32, #tpu.memory_space<hbm>>
        %dma_wait3A_162 = tpu.memref_squeeze %dma_wait3A_161 : memref<1x80x512xf32, #tpu.memory_space<hbm>> -> memref<80x512xf32, #tpu.memory_space<hbm>>
        tpu.wait_dma2 semaphore(%run_scoped3A : memref<!tpu.dma_semaphore, #tpu.memory_space<semaphore_mem>>) src(%arg11 : memref<80x512xf32, #tpu.memory_space<vmem>>) dst(%dma_wait3A_162 : memref<80x512xf32, #tpu.memory_space<hbm>>)
        tpu.yield
      }) : () -> ()
    } else {
    }
    %add3A_82 = arith.constant 24 : i32
    %add3A_83 = arith.addi %add3A_82, %select_n3A_30 : i32
    %lt3A_84 = arith.constant 51 : i32
    %lt3A_85 = arith.cmpi slt, %add3A_83, %lt3A_84 : i32
    %convert_element_type3A_86 = arith.extui %lt3A_85 : i1 to i32
    %cond3A_87 = arith.constant 0 : i32
    %cond3A_88 = arith.cmpi ne, %convert_element_type3A_86, %cond3A_87 : i32
    scf.if %cond3A_88 {
      %mul3A_145 = arith.constant 80 : i32
      %mul3A_146 = arith.muli %add3A_83, %mul3A_145 : i32
      %dma_start3A = tpu.memref_slice %arg8[%mul3A_146] : memref<4080xi32, #tpu.memory_space<vmem>> -> memref<80xi32, #tpu.memory_space<vmem>>
      %dma_start3A_147 = arith.constant 0 : i32
      %dma_start3A_148 = arith.constant 0 : i32
      %dma_start3A_149 = tpu.memref_slice %arg3[%dma_start3A_147, %dma_start3A_148] : memref<16320x512xf32, #tpu.memory_space<hbm>> -> memref<16320x512xf32, #tpu.memory_space<hbm>>
      tpu.enqueue_indirect_dma source(%dma_start3A_149 : memref<16320x512xf32, #tpu.memory_space<hbm>>) target(%arg11 : memref<80x512xf32, #tpu.memory_space<vmem>>) offsets(%dma_start3A : memref<80xi32, #tpu.memory_space<vmem>>) semaphore(%arg13 : memref<!tpu.dma_semaphore, #tpu.memory_space<semaphore_mem>>)
    } else {
    }
    %add3A_89 = arith.constant 16 : i32
    %add3A_90 = arith.addi %add3A_89, %select_n3A_30 : i32
    %lt3A_91 = arith.constant 51 : i32
    %lt3A_92 = arith.cmpi slt, %add3A_90, %lt3A_91 : i32
    %convert_element_type3A_93 = arith.extui %lt3A_92 : i1 to i32
    %cond3A_94 = arith.constant 0 : i32
    %cond3A_95 = arith.cmpi ne, %convert_element_type3A_93, %cond3A_94 : i32
    scf.if %cond3A_95 {
      %mul3A_145 = arith.constant 80 : i32
      %mul3A_146 = arith.muli %add3A_90, %mul3A_145 : i32
      %dma_wait3A = tpu.memref_slice %arg8[%mul3A_146] : memref<4080xi32, #tpu.memory_space<vmem>> -> memref<80xi32, #tpu.memory_space<vmem>>
      %dma_wait3A_147 = arith.constant 0 : i32
      %dma_wait3A_148 = arith.constant 0 : i32
      %dma_wait3A_149 = tpu.memref_slice %arg3[%dma_wait3A_147, %dma_wait3A_148] : memref<16320x512xf32, #tpu.memory_space<hbm>> -> memref<16320x512xf32, #tpu.memory_space<hbm>>
      tpu.wait_indirect_dma semaphore(%arg12 : memref<!tpu.dma_semaphore, #tpu.memory_space<semaphore_mem>>) src(%dma_wait3A_149 : memref<16320x512xf32, #tpu.memory_space<hbm>>) dst(%arg10 : memref<80x512xf32, #tpu.memory_space<vmem>>)
      %mul3A_150 = arith.constant 80 : i32
      %mul3A_151 = arith.muli %add3A_90, %mul3A_150 : i32
      "tpu.region"() ({
        %run_scoped3A = tpu.sem_alloc : memref<!tpu.dma_semaphore, #tpu.memory_space<semaphore_mem>>
        %dma_start3A = arith.constant 0 : i32
        %dma_start3A_152 = tpu.memref_slice %arg5[%select_n3A_9, %mul3A_151, %dma_start3A] : memref<4x4080x512xf32, #tpu.memory_space<hbm>> -> memref<1x80x512xf32, #tpu.memory_space<hbm>>
        %dma_start3A_153 = tpu.memref_squeeze %dma_start3A_152 : memref<1x80x512xf32, #tpu.memory_space<hbm>> -> memref<80x512xf32, #tpu.memory_space<hbm>>
        %dma_start3A_154 = arith.constant 0 : i32
        %dma_start3A_155 = tpu.memref_slice %arg5[%select_n3A_9, %mul3A_151, %dma_start3A_154] : memref<4x4080x512xf32, #tpu.memory_space<hbm>> -> memref<1x80x512xf32, #tpu.memory_space<hbm>>
        %dma_start3A_156 = tpu.memref_squeeze %dma_start3A_155 : memref<1x80x512xf32, #tpu.memory_space<hbm>> -> memref<80x512xf32, #tpu.memory_space<hbm>>
        tpu.enqueue_dma source(%arg10 : memref<80x512xf32, #tpu.memory_space<vmem>>) target(%dma_start3A_156 : memref<80x512xf32, #tpu.memory_space<hbm>>) target_semaphore(%run_scoped3A : memref<!tpu.dma_semaphore, #tpu.memory_space<semaphore_mem>>)
        %dma_wait3A_157 = arith.constant 0 : i32
        %dma_wait3A_158 = tpu.memref_slice %arg5[%select_n3A_9, %mul3A_151, %dma_wait3A_157] : memref<4x4080x512xf32, #tpu.memory_space<hbm>> -> memref<1x80x512xf32, #tpu.memory_space<hbm>>
        %dma_wait3A_159 = tpu.memref_squeeze %dma_wait3A_158 : memref<1x80x512xf32, #tpu.memory_space<hbm>> -> memref<80x512xf32, #tpu.memory_space<hbm>>
        %dma_wait3A_160 = arith.constant 0 : i32
        %dma_wait3A_161 = tpu.memref_slice %arg5[%select_n3A_9, %mul3A_151, %dma_wait3A_160] : memref<4x4080x512xf32, #tpu.memory_space<hbm>> -> memref<1x80x512xf32, #tpu.memory_space<hbm>>
        %dma_wait3A_162 = tpu.memref_squeeze %dma_wait3A_161 : memref<1x80x512xf32, #tpu.memory_space<hbm>> -> memref<80x512xf32, #tpu.memory_space<hbm>>
        tpu.wait_dma2 semaphore(%run_scoped3A : memref<!tpu.dma_semaphore, #tpu.memory_space<semaphore_mem>>) src(%arg10 : memref<80x512xf32, #tpu.memory_space<vmem>>) dst(%dma_wait3A_162 : memref<80x512xf32, #tpu.memory_space<hbm>>)
        tpu.yield
      }) : () -> ()
    } else {
    }
    %add3A_96 = arith.constant 32 : i32
    %add3A_97 = arith.addi %add3A_96, %select_n3A_30 : i32
    %lt3A_98 = arith.constant 51 : i32
    %lt3A_99 = arith.cmpi slt, %add3A_97, %lt3A_98 : i32
    %convert_element_type3A_100 = arith.extui %lt3A_99 : i1 to i32
    %cond3A_101 = arith.constant 0 : i32
    %cond3A_102 = arith.cmpi ne, %convert_element_type3A_100, %cond3A_101 : i32
    scf.if %cond3A_102 {
      %mul3A_145 = arith.constant 80 : i32
      %mul3A_146 = arith.muli %add3A_97, %mul3A_145 : i32
      %dma_start3A = tpu.memref_slice %arg8[%mul3A_146] : memref<4080xi32, #tpu.memory_space<vmem>> -> memref<80xi32, #tpu.memory_space<vmem>>
      %dma_start3A_147 = arith.constant 0 : i32
      %dma_start3A_148 = arith.constant 0 : i32
      %dma_start3A_149 = tpu.memref_slice %arg3[%dma_start3A_147, %dma_start3A_148] : memref<16320x512xf32, #tpu.memory_space<hbm>> -> memref<16320x512xf32, #tpu.memory_space<hbm>>
      tpu.enqueue_indirect_dma source(%dma_start3A_149 : memref<16320x512xf32, #tpu.memory_space<hbm>>) target(%arg10 : memref<80x512xf32, #tpu.memory_space<vmem>>) offsets(%dma_start3A : memref<80xi32, #tpu.memory_space<vmem>>) semaphore(%arg12 : memref<!tpu.dma_semaphore, #tpu.memory_space<semaphore_mem>>)
    } else {
    }
    %add3A_103 = arith.constant 24 : i32
    %add3A_104 = arith.addi %add3A_103, %select_n3A_30 : i32
    %lt3A_105 = arith.constant 51 : i32
    %lt3A_106 = arith.cmpi slt, %add3A_104, %lt3A_105 : i32
    %convert_element_type3A_107 = arith.extui %lt3A_106 : i1 to i32
    %cond3A_108 = arith.constant 0 : i32
    %cond3A_109 = arith.cmpi ne, %convert_element_type3A_107, %cond3A_108 : i32
    scf.if %cond3A_109 {
      %mul3A_145 = arith.constant 80 : i32
      %mul3A_146 = arith.muli %add3A_104, %mul3A_145 : i32
      %dma_wait3A = tpu.memref_slice %arg8[%mul3A_146] : memref<4080xi32, #tpu.memory_space<vmem>> -> memref<80xi32, #tpu.memory_space<vmem>>
      %dma_wait3A_147 = arith.constant 0 : i32
      %dma_wait3A_148 = arith.constant 0 : i32
      %dma_wait3A_149 = tpu.memref_slice %arg3[%dma_wait3A_147, %dma_wait3A_148] : memref<16320x512xf32, #tpu.memory_space<hbm>> -> memref<16320x512xf32, #tpu.memory_space<hbm>>
      tpu.wait_indirect_dma semaphore(%arg13 : memref<!tpu.dma_semaphore, #tpu.memory_space<semaphore_mem>>) src(%dma_wait3A_149 : memref<16320x512xf32, #tpu.memory_space<hbm>>) dst(%arg11 : memref<80x512xf32, #tpu.memory_space<vmem>>)
      %mul3A_150 = arith.constant 80 : i32
      %mul3A_151 = arith.muli %add3A_104, %mul3A_150 : i32
      "tpu.region"() ({
        %run_scoped3A = tpu.sem_alloc : memref<!tpu.dma_semaphore, #tpu.memory_space<semaphore_mem>>
        %dma_start3A = arith.constant 0 : i32
        %dma_start3A_152 = tpu.memref_slice %arg5[%select_n3A_9, %mul3A_151, %dma_start3A] : memref<4x4080x512xf32, #tpu.memory_space<hbm>> -> memref<1x80x512xf32, #tpu.memory_space<hbm>>
        %dma_start3A_153 = tpu.memref_squeeze %dma_start3A_152 : memref<1x80x512xf32, #tpu.memory_space<hbm>> -> memref<80x512xf32, #tpu.memory_space<hbm>>
        %dma_start3A_154 = arith.constant 0 : i32
        %dma_start3A_155 = tpu.memref_slice %arg5[%select_n3A_9, %mul3A_151, %dma_start3A_154] : memref<4x4080x512xf32, #tpu.memory_space<hbm>> -> memref<1x80x512xf32, #tpu.memory_space<hbm>>
        %dma_start3A_156 = tpu.memref_squeeze %dma_start3A_155 : memref<1x80x512xf32, #tpu.memory_space<hbm>> -> memref<80x512xf32, #tpu.memory_space<hbm>>
        tpu.enqueue_dma source(%arg11 : memref<80x512xf32, #tpu.memory_space<vmem>>) target(%dma_start3A_156 : memref<80x512xf32, #tpu.memory_space<hbm>>) target_semaphore(%run_scoped3A : memref<!tpu.dma_semaphore, #tpu.memory_space<semaphore_mem>>)
        %dma_wait3A_157 = arith.constant 0 : i32
        %dma_wait3A_158 = tpu.memref_slice %arg5[%select_n3A_9, %mul3A_151, %dma_wait3A_157] : memref<4x4080x512xf32, #tpu.memory_space<hbm>> -> memref<1x80x512xf32, #tpu.memory_space<hbm>>
        %dma_wait3A_159 = tpu.memref_squeeze %dma_wait3A_158 : memref<1x80x512xf32, #tpu.memory_space<hbm>> -> memref<80x512xf32, #tpu.memory_space<hbm>>
        %dma_wait3A_160 = arith.constant 0 : i32
        %dma_wait3A_161 = tpu.memref_slice %arg5[%select_n3A_9, %mul3A_151, %dma_wait3A_160] : memref<4x4080x512xf32, #tpu.memory_space<hbm>> -> memref<1x80x512xf32, #tpu.memory_space<hbm>>
        %dma_wait3A_162 = tpu.memref_squeeze %dma_wait3A_161 : memref<1x80x512xf32, #tpu.memory_space<hbm>> -> memref<80x512xf32, #tpu.memory_space<hbm>>
        tpu.wait_dma2 semaphore(%run_scoped3A : memref<!tpu.dma_semaphore, #tpu.memory_space<semaphore_mem>>) src(%arg11 : memref<80x512xf32, #tpu.memory_space<vmem>>) dst(%dma_wait3A_162 : memref<80x512xf32, #tpu.memory_space<hbm>>)
        tpu.yield
      }) : () -> ()
    } else {
    }
    %add3A_110 = arith.constant 40 : i32
    %add3A_111 = arith.addi %add3A_110, %select_n3A_30 : i32
    %lt3A_112 = arith.constant 51 : i32
    %lt3A_113 = arith.cmpi slt, %add3A_111, %lt3A_112 : i32
    %convert_element_type3A_114 = arith.extui %lt3A_113 : i1 to i32
    %cond3A_115 = arith.constant 0 : i32
    %cond3A_116 = arith.cmpi ne, %convert_element_type3A_114, %cond3A_115 : i32
    scf.if %cond3A_116 {
      %mul3A_145 = arith.constant 80 : i32
      %mul3A_146 = arith.muli %add3A_111, %mul3A_145 : i32
      %dma_start3A = tpu.memref_slice %arg8[%mul3A_146] : memref<4080xi32, #tpu.memory_space<vmem>> -> memref<80xi32, #tpu.memory_space<vmem>>
      %dma_start3A_147 = arith.constant 0 : i32
      %dma_start3A_148 = arith.constant 0 : i32
      %dma_start3A_149 = tpu.memref_slice %arg3[%dma_start3A_147, %dma_start3A_148] : memref<16320x512xf32, #tpu.memory_space<hbm>> -> memref<16320x512xf32, #tpu.memory_space<hbm>>
      tpu.enqueue_indirect_dma source(%dma_start3A_149 : memref<16320x512xf32, #tpu.memory_space<hbm>>) target(%arg11 : memref<80x512xf32, #tpu.memory_space<vmem>>) offsets(%dma_start3A : memref<80xi32, #tpu.memory_space<vmem>>) semaphore(%arg13 : memref<!tpu.dma_semaphore, #tpu.memory_space<semaphore_mem>>)
    } else {
    }
    %add3A_117 = arith.constant 32 : i32
    %add3A_118 = arith.addi %add3A_117, %select_n3A_30 : i32
    %lt3A_119 = arith.constant 51 : i32
    %lt3A_120 = arith.cmpi slt, %add3A_118, %lt3A_119 : i32
    %convert_element_type3A_121 = arith.extui %lt3A_120 : i1 to i32
    %cond3A_122 = arith.constant 0 : i32
    %cond3A_123 = arith.cmpi ne, %convert_element_type3A_121, %cond3A_122 : i32
    scf.if %cond3A_123 {
      %mul3A_145 = arith.constant 80 : i32
      %mul3A_146 = arith.muli %add3A_118, %mul3A_145 : i32
      %dma_wait3A = tpu.memref_slice %arg8[%mul3A_146] : memref<4080xi32, #tpu.memory_space<vmem>> -> memref<80xi32, #tpu.memory_space<vmem>>
      %dma_wait3A_147 = arith.constant 0 : i32
      %dma_wait3A_148 = arith.constant 0 : i32
      %dma_wait3A_149 = tpu.memref_slice %arg3[%dma_wait3A_147, %dma_wait3A_148] : memref<16320x512xf32, #tpu.memory_space<hbm>> -> memref<16320x512xf32, #tpu.memory_space<hbm>>
      tpu.wait_indirect_dma semaphore(%arg12 : memref<!tpu.dma_semaphore, #tpu.memory_space<semaphore_mem>>) src(%dma_wait3A_149 : memref<16320x512xf32, #tpu.memory_space<hbm>>) dst(%arg10 : memref<80x512xf32, #tpu.memory_space<vmem>>)
      %mul3A_150 = arith.constant 80 : i32
      %mul3A_151 = arith.muli %add3A_118, %mul3A_150 : i32
      "tpu.region"() ({
        %run_scoped3A = tpu.sem_alloc : memref<!tpu.dma_semaphore, #tpu.memory_space<semaphore_mem>>
        %dma_start3A = arith.constant 0 : i32
        %dma_start3A_152 = tpu.memref_slice %arg5[%select_n3A_9, %mul3A_151, %dma_start3A] : memref<4x4080x512xf32, #tpu.memory_space<hbm>> -> memref<1x80x512xf32, #tpu.memory_space<hbm>>
        %dma_start3A_153 = tpu.memref_squeeze %dma_start3A_152 : memref<1x80x512xf32, #tpu.memory_space<hbm>> -> memref<80x512xf32, #tpu.memory_space<hbm>>
        %dma_start3A_154 = arith.constant 0 : i32
        %dma_start3A_155 = tpu.memref_slice %arg5[%select_n3A_9, %mul3A_151, %dma_start3A_154] : memref<4x4080x512xf32, #tpu.memory_space<hbm>> -> memref<1x80x512xf32, #tpu.memory_space<hbm>>
        %dma_start3A_156 = tpu.memref_squeeze %dma_start3A_155 : memref<1x80x512xf32, #tpu.memory_space<hbm>> -> memref<80x512xf32, #tpu.memory_space<hbm>>
        tpu.enqueue_dma source(%arg10 : memref<80x512xf32, #tpu.memory_space<vmem>>) target(%dma_start3A_156 : memref<80x512xf32, #tpu.memory_space<hbm>>) target_semaphore(%run_scoped3A : memref<!tpu.dma_semaphore, #tpu.memory_space<semaphore_mem>>)
        %dma_wait3A_157 = arith.constant 0 : i32
        %dma_wait3A_158 = tpu.memref_slice %arg5[%select_n3A_9, %mul3A_151, %dma_wait3A_157] : memref<4x4080x512xf32, #tpu.memory_space<hbm>> -> memref<1x80x512xf32, #tpu.memory_space<hbm>>
        %dma_wait3A_159 = tpu.memref_squeeze %dma_wait3A_158 : memref<1x80x512xf32, #tpu.memory_space<hbm>> -> memref<80x512xf32, #tpu.memory_space<hbm>>
        %dma_wait3A_160 = arith.constant 0 : i32
        %dma_wait3A_161 = tpu.memref_slice %arg5[%select_n3A_9, %mul3A_151, %dma_wait3A_160] : memref<4x4080x512xf32, #tpu.memory_space<hbm>> -> memref<1x80x512xf32, #tpu.memory_space<hbm>>
        %dma_wait3A_162 = tpu.memref_squeeze %dma_wait3A_161 : memref<1x80x512xf32, #tpu.memory_space<hbm>> -> memref<80x512xf32, #tpu.memory_space<hbm>>
        tpu.wait_dma2 semaphore(%run_scoped3A : memref<!tpu.dma_semaphore, #tpu.memory_space<semaphore_mem>>) src(%arg10 : memref<80x512xf32, #tpu.memory_space<vmem>>) dst(%dma_wait3A_162 : memref<80x512xf32, #tpu.memory_space<hbm>>)
        tpu.yield
      }) : () -> ()
    } else {
    }
    %add3A_124 = arith.constant 48 : i32
    %add3A_125 = arith.addi %add3A_124, %select_n3A_30 : i32
    %lt3A_126 = arith.constant 51 : i32
    %lt3A_127 = arith.cmpi slt, %add3A_125, %lt3A_126 : i32
    %convert_element_type3A_128 = arith.extui %lt3A_127 : i1 to i32
    %cond3A_129 = arith.constant 0 : i32
    %cond3A_130 = arith.cmpi ne, %convert_element_type3A_128, %cond3A_129 : i32
    scf.if %cond3A_130 {
      %mul3A_145 = arith.constant 80 : i32
      %mul3A_146 = arith.muli %add3A_125, %mul3A_145 : i32
      %dma_start3A = tpu.memref_slice %arg8[%mul3A_146] : memref<4080xi32, #tpu.memory_space<vmem>> -> memref<80xi32, #tpu.memory_space<vmem>>
      %dma_start3A_147 = arith.constant 0 : i32
      %dma_start3A_148 = arith.constant 0 : i32
      %dma_start3A_149 = tpu.memref_slice %arg3[%dma_start3A_147, %dma_start3A_148] : memref<16320x512xf32, #tpu.memory_space<hbm>> -> memref<16320x512xf32, #tpu.memory_space<hbm>>
      tpu.enqueue_indirect_dma source(%dma_start3A_149 : memref<16320x512xf32, #tpu.memory_space<hbm>>) target(%arg10 : memref<80x512xf32, #tpu.memory_space<vmem>>) offsets(%dma_start3A : memref<80xi32, #tpu.memory_space<vmem>>) semaphore(%arg12 : memref<!tpu.dma_semaphore, #tpu.memory_space<semaphore_mem>>)
    } else {
    }
    %add3A_131 = arith.constant 40 : i32
    %add3A_132 = arith.addi %add3A_131, %select_n3A_30 : i32
    %lt3A_133 = arith.constant 51 : i32
    %lt3A_134 = arith.cmpi slt, %add3A_132, %lt3A_133 : i32
    %convert_element_type3A_135 = arith.extui %lt3A_134 : i1 to i32
    %cond3A_136 = arith.constant 0 : i32
    %cond3A_137 = arith.cmpi ne, %convert_element_type3A_135, %cond3A_136 : i32
    scf.if %cond3A_137 {
      %mul3A_145 = arith.constant 80 : i32
      %mul3A_146 = arith.muli %add3A_132, %mul3A_145 : i32
      %dma_wait3A = tpu.memref_slice %arg8[%mul3A_146] : memref<4080xi32, #tpu.memory_space<vmem>> -> memref<80xi32, #tpu.memory_space<vmem>>
      %dma_wait3A_147 = arith.constant 0 : i32
      %dma_wait3A_148 = arith.constant 0 : i32
      %dma_wait3A_149 = tpu.memref_slice %arg3[%dma_wait3A_147, %dma_wait3A_148] : memref<16320x512xf32, #tpu.memory_space<hbm>> -> memref<16320x512xf32, #tpu.memory_space<hbm>>
      tpu.wait_indirect_dma semaphore(%arg13 : memref<!tpu.dma_semaphore, #tpu.memory_space<semaphore_mem>>) src(%dma_wait3A_149 : memref<16320x512xf32, #tpu.memory_space<hbm>>) dst(%arg11 : memref<80x512xf32, #tpu.memory_space<vmem>>)
      %mul3A_150 = arith.constant 80 : i32
      %mul3A_151 = arith.muli %add3A_132, %mul3A_150 : i32
      "tpu.region"() ({
        %run_scoped3A = tpu.sem_alloc : memref<!tpu.dma_semaphore, #tpu.memory_space<semaphore_mem>>
        %dma_start3A = arith.constant 0 : i32
        %dma_start3A_152 = tpu.memref_slice %arg5[%select_n3A_9, %mul3A_151, %dma_start3A] : memref<4x4080x512xf32, #tpu.memory_space<hbm>> -> memref<1x80x512xf32, #tpu.memory_space<hbm>>
        %dma_start3A_153 = tpu.memref_squeeze %dma_start3A_152 : memref<1x80x512xf32, #tpu.memory_space<hbm>> -> memref<80x512xf32, #tpu.memory_space<hbm>>
        %dma_start3A_154 = arith.constant 0 : i32
        %dma_start3A_155 = tpu.memref_slice %arg5[%select_n3A_9, %mul3A_151, %dma_start3A_154] : memref<4x4080x512xf32, #tpu.memory_space<hbm>> -> memref<1x80x512xf32, #tpu.memory_space<hbm>>
        %dma_start3A_156 = tpu.memref_squeeze %dma_start3A_155 : memref<1x80x512xf32, #tpu.memory_space<hbm>> -> memref<80x512xf32, #tpu.memory_space<hbm>>
        tpu.enqueue_dma source(%arg11 : memref<80x512xf32, #tpu.memory_space<vmem>>) target(%dma_start3A_156 : memref<80x512xf32, #tpu.memory_space<hbm>>) target_semaphore(%run_scoped3A : memref<!tpu.dma_semaphore, #tpu.memory_space<semaphore_mem>>)
        %dma_wait3A_157 = arith.constant 0 : i32
        %dma_wait3A_158 = tpu.memref_slice %arg5[%select_n3A_9, %mul3A_151, %dma_wait3A_157] : memref<4x4080x512xf32, #tpu.memory_space<hbm>> -> memref<1x80x512xf32, #tpu.memory_space<hbm>>
        %dma_wait3A_159 = tpu.memref_squeeze %dma_wait3A_158 : memref<1x80x512xf32, #tpu.memory_space<hbm>> -> memref<80x512xf32, #tpu.memory_space<hbm>>
        %dma_wait3A_160 = arith.constant 0 : i32
        %dma_wait3A_161 = tpu.memref_slice %arg5[%select_n3A_9, %mul3A_151, %dma_wait3A_160] : memref<4x4080x512xf32, #tpu.memory_space<hbm>> -> memref<1x80x512xf32, #tpu.memory_space<hbm>>
        %dma_wait3A_162 = tpu.memref_squeeze %dma_wait3A_161 : memref<1x80x512xf32, #tpu.memory_space<hbm>> -> memref<80x512xf32, #tpu.memory_space<hbm>>
        tpu.wait_dma2 semaphore(%run_scoped3A : memref<!tpu.dma_semaphore, #tpu.memory_space<semaphore_mem>>) src(%arg11 : memref<80x512xf32, #tpu.memory_space<vmem>>) dst(%dma_wait3A_162 : memref<80x512xf32, #tpu.memory_space<hbm>>)
        tpu.yield
      }) : () -> ()
    } else {
    }
    %add3A_138 = arith.constant 48 : i32
    %add3A_139 = arith.addi %add3A_138, %select_n3A_30 : i32
    %lt3A_140 = arith.constant 51 : i32
    %lt3A_141 = arith.cmpi slt, %add3A_139, %lt3A_140 : i32
    %convert_element_type3A_142 = arith.extui %lt3A_141 : i1 to i32
    %cond3A_143 = arith.constant 0 : i32
    %cond3A_144 = arith.cmpi ne, %convert_element_type3A_142, %cond3A_143 : i32
    scf.if %cond3A_144 {
      %mul3A_145 = arith.constant 80 : i32
      %mul3A_146 = arith.muli %add3A_139, %mul3A_145 : i32
      %dma_wait3A = tpu.memref_slice %arg8[%mul3A_146] : memref<4080xi32, #tpu.memory_space<vmem>> -> memref<80xi32, #tpu.memory_space<vmem>>
      %dma_wait3A_147 = arith.constant 0 : i32
      %dma_wait3A_148 = arith.constant 0 : i32
      %dma_wait3A_149 = tpu.memref_slice %arg3[%dma_wait3A_147, %dma_wait3A_148] : memref<16320x512xf32, #tpu.memory_space<hbm>> -> memref<16320x512xf32, #tpu.memory_space<hbm>>
      tpu.wait_indirect_dma semaphore(%arg12 : memref<!tpu.dma_semaphore, #tpu.memory_space<semaphore_mem>>) src(%dma_wait3A_149 : memref<16320x512xf32, #tpu.memory_space<hbm>>) dst(%arg10 : memref<80x512xf32, #tpu.memory_space<vmem>>)
      %mul3A_150 = arith.constant 80 : i32
      %mul3A_151 = arith.muli %add3A_139, %mul3A_150 : i32
      "tpu.region"() ({
        %run_scoped3A = tpu.sem_alloc : memref<!tpu.dma_semaphore, #tpu.memory_space<semaphore_mem>>
        %dma_start3A = arith.constant 0 : i32
        %dma_start3A_152 = tpu.memref_slice %arg5[%select_n3A_9, %mul3A_151, %dma_start3A] : memref<4x4080x512xf32, #tpu.memory_space<hbm>> -> memref<1x80x512xf32, #tpu.memory_space<hbm>>
        %dma_start3A_153 = tpu.memref_squeeze %dma_start3A_152 : memref<1x80x512xf32, #tpu.memory_space<hbm>> -> memref<80x512xf32, #tpu.memory_space<hbm>>
        %dma_start3A_154 = arith.constant 0 : i32
        %dma_start3A_155 = tpu.memref_slice %arg5[%select_n3A_9, %mul3A_151, %dma_start3A_154] : memref<4x4080x512xf32, #tpu.memory_space<hbm>> -> memref<1x80x512xf32, #tpu.memory_space<hbm>>
        %dma_start3A_156 = tpu.memref_squeeze %dma_start3A_155 : memref<1x80x512xf32, #tpu.memory_space<hbm>> -> memref<80x512xf32, #tpu.memory_space<hbm>>
        tpu.enqueue_dma source(%arg10 : memref<80x512xf32, #tpu.memory_space<vmem>>) target(%dma_start3A_156 : memref<80x512xf32, #tpu.memory_space<hbm>>) target_semaphore(%run_scoped3A : memref<!tpu.dma_semaphore, #tpu.memory_space<semaphore_mem>>)
        %dma_wait3A_157 = arith.constant 0 : i32
        %dma_wait3A_158 = tpu.memref_slice %arg5[%select_n3A_9, %mul3A_151, %dma_wait3A_157] : memref<4x4080x512xf32, #tpu.memory_space<hbm>> -> memref<1x80x512xf32, #tpu.memory_space<hbm>>
        %dma_wait3A_159 = tpu.memref_squeeze %dma_wait3A_158 : memref<1x80x512xf32, #tpu.memory_space<hbm>> -> memref<80x512xf32, #tpu.memory_space<hbm>>
        %dma_wait3A_160 = arith.constant 0 : i32
        %dma_wait3A_161 = tpu.memref_slice %arg5[%select_n3A_9, %mul3A_151, %dma_wait3A_160] : memref<4x4080x512xf32, #tpu.memory_space<hbm>> -> memref<1x80x512xf32, #tpu.memory_space<hbm>>
        %dma_wait3A_162 = tpu.memref_squeeze %dma_wait3A_161 : memref<1x80x512xf32, #tpu.memory_space<hbm>> -> memref<80x512xf32, #tpu.memory_space<hbm>>
        tpu.wait_dma2 semaphore(%run_scoped3A : memref<!tpu.dma_semaphore, #tpu.memory_space<semaphore_mem>>) src(%arg10 : memref<80x512xf32, #tpu.memory_space<vmem>>) dst(%dma_wait3A_162 : memref<80x512xf32, #tpu.memory_space<hbm>>)
        tpu.yield
      }) : () -> ()
    } else {
    }
    return
  }
}

module attributes {stable_mosaic.version = 14 : i64} {
  func.func @_tc_body(%arg0: i32, %arg1: memref<16320xi32, #tpu.memory_space<smem>>, %arg2: memref<4x1x16x512xf32, #tpu.memory_space<vmem>>, %arg3: memref<4x1x16x1xf32, #tpu.memory_space<vmem>>, %arg4: memref<256x1024xf32, #tpu.memory_space<vmem>>, %arg5: memref<256x1024xf32, #tpu.memory_space<vmem>>, %arg6: memref<1x1024xf32, #tpu.memory_space<vmem>>, %arg7: memref<64x256xf32, #tpu.memory_space<vmem>>, %arg8: memref<256x64x512xf32, #tpu.memory_space<vmem>>) attributes {dimension_semantics = [#tpu.dimension_semantics<arbitrary>], iteration_bounds = array<i64: 255>, scalar_prefetch = 1 : i64, scratch_operands = 1 : i64, tpu.core_type = #tpu.core_type<tc>, window_params = [{transform_indices = @transform_0, window_bounds = array<i64: 4, 1, 16, 512>}, {transform_indices = @transform_1, window_bounds = array<i64: 4, 1, 16, 1>}, {pipeline_mode = #tpu.pipeline_mode<synchronous>, transform_indices = @transform_2, window_bounds = array<i64: 256, 1024>}, {pipeline_mode = #tpu.pipeline_mode<synchronous>, transform_indices = @transform_3, window_bounds = array<i64: 256, 1024>}, {pipeline_mode = #tpu.pipeline_mode<synchronous>, transform_indices = @transform_4, window_bounds = array<i64: 1, 1024>}, {pipeline_mode = #tpu.pipeline_mode<synchronous>, transform_indices = @transform_5, window_bounds = array<i64: 64, 256>}]} {
    %eq3A = arith.constant 0 : i32
    %eq3A_0 = arith.cmpi eq, %arg0, %eq3A : i32
    %convert_element_type3A = arith.extui %eq3A_0 : i1 to i32
    %cond3A = arith.constant 0 : i32
    %cond3A_1 = arith.cmpi ne, %convert_element_type3A, %cond3A : i32
    scf.if %cond3A_1 {
      %broadcast_in_dim3A = arith.constant 0.000000e+00 : f32
      %broadcast_in_dim3A_914 = vector.broadcast %broadcast_in_dim3A : f32 to vector<64x512xf32>
      %swap3A_915 = arith.constant 0 : index
      %swap3A_916 = arith.constant 0 : index
      %swap3A_917 = arith.constant 0 : index
      %swap3A_918 = vector.load %arg8[%swap3A_915, %swap3A_916, %swap3A_917] : memref<256x64x512xf32, #tpu.memory_space<vmem>>, vector<1x64x512xf32>
      %swap3A_919 = vector.shape_cast %swap3A_918 : vector<1x64x512xf32> to vector<64x512xf32>
      %swap3A_920 = vector.shape_cast %broadcast_in_dim3A_914 : vector<64x512xf32> to vector<1x64x512xf32>
      tpu.vector_store %arg8[%swap3A_915, %swap3A_916, %swap3A_917], %swap3A_920 {strides = array<i32>} : memref<256x64x512xf32, #tpu.memory_space<vmem>>, vector<1x64x512xf32>,
    } else {
    }
    %get3A = arith.index_cast %arg0 : i32 to index
    %get3A_2 = arith.constant 0 : index
    %get3A_3 = arith.constant 0 : index
    %get3A_4 = vector.load %arg8[%get3A, %get3A_2, %get3A_3] : memref<256x64x512xf32, #tpu.memory_space<vmem>>, vector<1x64x512xf32>
    %get3A_5 = vector.shape_cast %get3A_4 : vector<1x64x512xf32> to vector<64x512xf32>
    %mul3A = arith.constant 16 : i32
    %mul3A_6 = arith.muli %arg0, %mul3A : i32
    %add3A = arith.constant 0 : i32
    %add3A_7 = arith.addi %add3A, %mul3A_6 : i32
    %add3A_8 = arith.constant 0 : i32
    %add3A_9 = arith.addi %add3A_7, %add3A_8 : i32
    %get3A_10 = arith.index_cast %add3A_9 : i32 to index
    %get3A_11 = memref.load %arg1[%get3A_10] : memref<16320xi32, #tpu.memory_space<smem>>
    %get3A_12 = arith.index_cast %get3A_11 : i32 to index
    %get3A_13 = arith.constant 0 : index
    %get3A_14 = arith.constant 0 : index
    %get3A_15 = vector.load %arg8[%get3A_12, %get3A_13, %get3A_14] : memref<256x64x512xf32, #tpu.memory_space<vmem>>, vector<1x1x512xf32>
    %get3A_16 = vector.shape_cast %get3A_15 : vector<1x1x512xf32> to vector<1x512xf32>
    %mul3A_17 = arith.constant 16 : i32
    %mul3A_18 = arith.muli %arg0, %mul3A_17 : i32
    %add3A_19 = arith.constant 0 : i32
    %add3A_20 = arith.addi %add3A_19, %mul3A_18 : i32
    %add3A_21 = arith.constant 1 : i32
    %add3A_22 = arith.addi %add3A_20, %add3A_21 : i32
    %get3A_23 = arith.index_cast %add3A_22 : i32 to index
    %get3A_24 = memref.load %arg1[%get3A_23] : memref<16320xi32, #tpu.memory_space<smem>>
    %get3A_25 = arith.index_cast %get3A_24 : i32 to index
    %get3A_26 = arith.constant 1 : index
    %get3A_27 = arith.constant 0 : index
    %get3A_28 = vector.load %arg8[%get3A_25, %get3A_26, %get3A_27] : memref<256x64x512xf32, #tpu.memory_space<vmem>>, vector<1x1x512xf32>
    %get3A_29 = vector.shape_cast %get3A_28 : vector<1x1x512xf32> to vector<1x512xf32>
    %mul3A_30 = arith.constant 16 : i32
    %mul3A_31 = arith.muli %arg0, %mul3A_30 : i32
    %add3A_32 = arith.constant 0 : i32
    %add3A_33 = arith.addi %add3A_32, %mul3A_31 : i32
    %add3A_34 = arith.constant 2 : i32
    %add3A_35 = arith.addi %add3A_33, %add3A_34 : i32
    %get3A_36 = arith.index_cast %add3A_35 : i32 to index
    %get3A_37 = memref.load %arg1[%get3A_36] : memref<16320xi32, #tpu.memory_space<smem>>
    %get3A_38 = arith.index_cast %get3A_37 : i32 to index
    %get3A_39 = arith.constant 2 : index
    %get3A_40 = arith.constant 0 : index
    %get3A_41 = vector.load %arg8[%get3A_38, %get3A_39, %get3A_40] : memref<256x64x512xf32, #tpu.memory_space<vmem>>, vector<1x1x512xf32>
    %get3A_42 = vector.shape_cast %get3A_41 : vector<1x1x512xf32> to vector<1x512xf32>
    %mul3A_43 = arith.constant 16 : i32
    %mul3A_44 = arith.muli %arg0, %mul3A_43 : i32
    %add3A_45 = arith.constant 0 : i32
    %add3A_46 = arith.addi %add3A_45, %mul3A_44 : i32
    %add3A_47 = arith.constant 3 : i32
    %add3A_48 = arith.addi %add3A_46, %add3A_47 : i32
    %get3A_49 = arith.index_cast %add3A_48 : i32 to index
    %get3A_50 = memref.load %arg1[%get3A_49] : memref<16320xi32, #tpu.memory_space<smem>>
    %get3A_51 = arith.index_cast %get3A_50 : i32 to index
    %get3A_52 = arith.constant 3 : index
    %get3A_53 = arith.constant 0 : index
    %get3A_54 = vector.load %arg8[%get3A_51, %get3A_52, %get3A_53] : memref<256x64x512xf32, #tpu.memory_space<vmem>>, vector<1x1x512xf32>
    %get3A_55 = vector.shape_cast %get3A_54 : vector<1x1x512xf32> to vector<1x512xf32>
    %mul3A_56 = arith.constant 16 : i32
    %mul3A_57 = arith.muli %arg0, %mul3A_56 : i32
    %add3A_58 = arith.constant 0 : i32
    %add3A_59 = arith.addi %add3A_58, %mul3A_57 : i32
    %add3A_60 = arith.constant 4 : i32
    %add3A_61 = arith.addi %add3A_59, %add3A_60 : i32
    %get3A_62 = arith.index_cast %add3A_61 : i32 to index
    %get3A_63 = memref.load %arg1[%get3A_62] : memref<16320xi32, #tpu.memory_space<smem>>
    %get3A_64 = arith.index_cast %get3A_63 : i32 to index
    %get3A_65 = arith.constant 4 : index
    %get3A_66 = arith.constant 0 : index
    %get3A_67 = vector.load %arg8[%get3A_64, %get3A_65, %get3A_66] : memref<256x64x512xf32, #tpu.memory_space<vmem>>, vector<1x1x512xf32>
    %get3A_68 = vector.shape_cast %get3A_67 : vector<1x1x512xf32> to vector<1x512xf32>
    %mul3A_69 = arith.constant 16 : i32
    %mul3A_70 = arith.muli %arg0, %mul3A_69 : i32
    %add3A_71 = arith.constant 0 : i32
    %add3A_72 = arith.addi %add3A_71, %mul3A_70 : i32
    %add3A_73 = arith.constant 5 : i32
    %add3A_74 = arith.addi %add3A_72, %add3A_73 : i32
    %get3A_75 = arith.index_cast %add3A_74 : i32 to index
    %get3A_76 = memref.load %arg1[%get3A_75] : memref<16320xi32, #tpu.memory_space<smem>>
    %get3A_77 = arith.index_cast %get3A_76 : i32 to index
    %get3A_78 = arith.constant 5 : index
    %get3A_79 = arith.constant 0 : index
    %get3A_80 = vector.load %arg8[%get3A_77, %get3A_78, %get3A_79] : memref<256x64x512xf32, #tpu.memory_space<vmem>>, vector<1x1x512xf32>
    %get3A_81 = vector.shape_cast %get3A_80 : vector<1x1x512xf32> to vector<1x512xf32>
    %mul3A_82 = arith.constant 16 : i32
    %mul3A_83 = arith.muli %arg0, %mul3A_82 : i32
    %add3A_84 = arith.constant 0 : i32
    %add3A_85 = arith.addi %add3A_84, %mul3A_83 : i32
    %add3A_86 = arith.constant 6 : i32
    %add3A_87 = arith.addi %add3A_85, %add3A_86 : i32
    %get3A_88 = arith.index_cast %add3A_87 : i32 to index
    %get3A_89 = memref.load %arg1[%get3A_88] : memref<16320xi32, #tpu.memory_space<smem>>
    %get3A_90 = arith.index_cast %get3A_89 : i32 to index
    %get3A_91 = arith.constant 6 : index
    %get3A_92 = arith.constant 0 : index
    %get3A_93 = vector.load %arg8[%get3A_90, %get3A_91, %get3A_92] : memref<256x64x512xf32, #tpu.memory_space<vmem>>, vector<1x1x512xf32>
    %get3A_94 = vector.shape_cast %get3A_93 : vector<1x1x512xf32> to vector<1x512xf32>
    %mul3A_95 = arith.constant 16 : i32
    %mul3A_96 = arith.muli %arg0, %mul3A_95 : i32
    %add3A_97 = arith.constant 0 : i32
    %add3A_98 = arith.addi %add3A_97, %mul3A_96 : i32
    %add3A_99 = arith.constant 7 : i32
    %add3A_100 = arith.addi %add3A_98, %add3A_99 : i32
    %get3A_101 = arith.index_cast %add3A_100 : i32 to index
    %get3A_102 = memref.load %arg1[%get3A_101] : memref<16320xi32, #tpu.memory_space<smem>>
    %get3A_103 = arith.index_cast %get3A_102 : i32 to index
    %get3A_104 = arith.constant 7 : index
    %get3A_105 = arith.constant 0 : index
    %get3A_106 = vector.load %arg8[%get3A_103, %get3A_104, %get3A_105] : memref<256x64x512xf32, #tpu.memory_space<vmem>>, vector<1x1x512xf32>
    %get3A_107 = vector.shape_cast %get3A_106 : vector<1x1x512xf32> to vector<1x512xf32>
    %mul3A_108 = arith.constant 16 : i32
    %mul3A_109 = arith.muli %arg0, %mul3A_108 : i32
    %add3A_110 = arith.constant 0 : i32
    %add3A_111 = arith.addi %add3A_110, %mul3A_109 : i32
    %add3A_112 = arith.constant 8 : i32
    %add3A_113 = arith.addi %add3A_111, %add3A_112 : i32
    %get3A_114 = arith.index_cast %add3A_113 : i32 to index
    %get3A_115 = memref.load %arg1[%get3A_114] : memref<16320xi32, #tpu.memory_space<smem>>
    %get3A_116 = arith.index_cast %get3A_115 : i32 to index
    %get3A_117 = arith.constant 8 : index
    %get3A_118 = arith.constant 0 : index
    %get3A_119 = vector.load %arg8[%get3A_116, %get3A_117, %get3A_118] : memref<256x64x512xf32, #tpu.memory_space<vmem>>, vector<1x1x512xf32>
    %get3A_120 = vector.shape_cast %get3A_119 : vector<1x1x512xf32> to vector<1x512xf32>
    %mul3A_121 = arith.constant 16 : i32
    %mul3A_122 = arith.muli %arg0, %mul3A_121 : i32
    %add3A_123 = arith.constant 0 : i32
    %add3A_124 = arith.addi %add3A_123, %mul3A_122 : i32
    %add3A_125 = arith.constant 9 : i32
    %add3A_126 = arith.addi %add3A_124, %add3A_125 : i32
    %get3A_127 = arith.index_cast %add3A_126 : i32 to index
    %get3A_128 = memref.load %arg1[%get3A_127] : memref<16320xi32, #tpu.memory_space<smem>>
    %get3A_129 = arith.index_cast %get3A_128 : i32 to index
    %get3A_130 = arith.constant 9 : index
    %get3A_131 = arith.constant 0 : index
    %get3A_132 = vector.load %arg8[%get3A_129, %get3A_130, %get3A_131] : memref<256x64x512xf32, #tpu.memory_space<vmem>>, vector<1x1x512xf32>
    %get3A_133 = vector.shape_cast %get3A_132 : vector<1x1x512xf32> to vector<1x512xf32>
    %mul3A_134 = arith.constant 16 : i32
    %mul3A_135 = arith.muli %arg0, %mul3A_134 : i32
    %add3A_136 = arith.constant 0 : i32
    %add3A_137 = arith.addi %add3A_136, %mul3A_135 : i32
    %add3A_138 = arith.constant 10 : i32
    %add3A_139 = arith.addi %add3A_137, %add3A_138 : i32
    %get3A_140 = arith.index_cast %add3A_139 : i32 to index
    %get3A_141 = memref.load %arg1[%get3A_140] : memref<16320xi32, #tpu.memory_space<smem>>
    %get3A_142 = arith.index_cast %get3A_141 : i32 to index
    %get3A_143 = arith.constant 10 : index
    %get3A_144 = arith.constant 0 : index
    %get3A_145 = vector.load %arg8[%get3A_142, %get3A_143, %get3A_144] : memref<256x64x512xf32, #tpu.memory_space<vmem>>, vector<1x1x512xf32>
    %get3A_146 = vector.shape_cast %get3A_145 : vector<1x1x512xf32> to vector<1x512xf32>
    %mul3A_147 = arith.constant 16 : i32
    %mul3A_148 = arith.muli %arg0, %mul3A_147 : i32
    %add3A_149 = arith.constant 0 : i32
    %add3A_150 = arith.addi %add3A_149, %mul3A_148 : i32
    %add3A_151 = arith.constant 11 : i32
    %add3A_152 = arith.addi %add3A_150, %add3A_151 : i32
    %get3A_153 = arith.index_cast %add3A_152 : i32 to index
    %get3A_154 = memref.load %arg1[%get3A_153] : memref<16320xi32, #tpu.memory_space<smem>>
    %get3A_155 = arith.index_cast %get3A_154 : i32 to index
    %get3A_156 = arith.constant 11 : index
    %get3A_157 = arith.constant 0 : index
    %get3A_158 = vector.load %arg8[%get3A_155, %get3A_156, %get3A_157] : memref<256x64x512xf32, #tpu.memory_space<vmem>>, vector<1x1x512xf32>
    %get3A_159 = vector.shape_cast %get3A_158 : vector<1x1x512xf32> to vector<1x512xf32>
    %mul3A_160 = arith.constant 16 : i32
    %mul3A_161 = arith.muli %arg0, %mul3A_160 : i32
    %add3A_162 = arith.constant 0 : i32
    %add3A_163 = arith.addi %add3A_162, %mul3A_161 : i32
    %add3A_164 = arith.constant 12 : i32
    %add3A_165 = arith.addi %add3A_163, %add3A_164 : i32
    %get3A_166 = arith.index_cast %add3A_165 : i32 to index
    %get3A_167 = memref.load %arg1[%get3A_166] : memref<16320xi32, #tpu.memory_space<smem>>
    %get3A_168 = arith.index_cast %get3A_167 : i32 to index
    %get3A_169 = arith.constant 12 : index
    %get3A_170 = arith.constant 0 : index
    %get3A_171 = vector.load %arg8[%get3A_168, %get3A_169, %get3A_170] : memref<256x64x512xf32, #tpu.memory_space<vmem>>, vector<1x1x512xf32>
    %get3A_172 = vector.shape_cast %get3A_171 : vector<1x1x512xf32> to vector<1x512xf32>
    %mul3A_173 = arith.constant 16 : i32
    %mul3A_174 = arith.muli %arg0, %mul3A_173 : i32
    %add3A_175 = arith.constant 0 : i32
    %add3A_176 = arith.addi %add3A_175, %mul3A_174 : i32
    %add3A_177 = arith.constant 13 : i32
    %add3A_178 = arith.addi %add3A_176, %add3A_177 : i32
    %get3A_179 = arith.index_cast %add3A_178 : i32 to index
    %get3A_180 = memref.load %arg1[%get3A_179] : memref<16320xi32, #tpu.memory_space<smem>>
    %get3A_181 = arith.index_cast %get3A_180 : i32 to index
    %get3A_182 = arith.constant 13 : index
    %get3A_183 = arith.constant 0 : index
    %get3A_184 = vector.load %arg8[%get3A_181, %get3A_182, %get3A_183] : memref<256x64x512xf32, #tpu.memory_space<vmem>>, vector<1x1x512xf32>
    %get3A_185 = vector.shape_cast %get3A_184 : vector<1x1x512xf32> to vector<1x512xf32>
    %mul3A_186 = arith.constant 16 : i32
    %mul3A_187 = arith.muli %arg0, %mul3A_186 : i32
    %add3A_188 = arith.constant 0 : i32
    %add3A_189 = arith.addi %add3A_188, %mul3A_187 : i32
    %add3A_190 = arith.constant 14 : i32
    %add3A_191 = arith.addi %add3A_189, %add3A_190 : i32
    %get3A_192 = arith.index_cast %add3A_191 : i32 to index
    %get3A_193 = memref.load %arg1[%get3A_192] : memref<16320xi32, #tpu.memory_space<smem>>
    %get3A_194 = arith.index_cast %get3A_193 : i32 to index
    %get3A_195 = arith.constant 14 : index
    %get3A_196 = arith.constant 0 : index
    %get3A_197 = vector.load %arg8[%get3A_194, %get3A_195, %get3A_196] : memref<256x64x512xf32, #tpu.memory_space<vmem>>, vector<1x1x512xf32>
    %get3A_198 = vector.shape_cast %get3A_197 : vector<1x1x512xf32> to vector<1x512xf32>
    %mul3A_199 = arith.constant 16 : i32
    %mul3A_200 = arith.muli %arg0, %mul3A_199 : i32
    %add3A_201 = arith.constant 0 : i32
    %add3A_202 = arith.addi %add3A_201, %mul3A_200 : i32
    %add3A_203 = arith.constant 15 : i32
    %add3A_204 = arith.addi %add3A_202, %add3A_203 : i32
    %get3A_205 = arith.index_cast %add3A_204 : i32 to index
    %get3A_206 = memref.load %arg1[%get3A_205] : memref<16320xi32, #tpu.memory_space<smem>>
    %get3A_207 = arith.index_cast %get3A_206 : i32 to index
    %get3A_208 = arith.constant 15 : index
    %get3A_209 = arith.constant 0 : index
    %get3A_210 = vector.load %arg8[%get3A_207, %get3A_208, %get3A_209] : memref<256x64x512xf32, #tpu.memory_space<vmem>>, vector<1x1x512xf32>
    %get3A_211 = vector.shape_cast %get3A_210 : vector<1x1x512xf32> to vector<1x512xf32>
    %mul3A_212 = arith.constant 16 : i32
    %mul3A_213 = arith.muli %arg0, %mul3A_212 : i32
    %add3A_214 = arith.constant 4080 : i32
    %add3A_215 = arith.addi %add3A_214, %mul3A_213 : i32
    %add3A_216 = arith.constant 0 : i32
    %add3A_217 = arith.addi %add3A_215, %add3A_216 : i32
    %get3A_218 = arith.index_cast %add3A_217 : i32 to index
    %get3A_219 = memref.load %arg1[%get3A_218] : memref<16320xi32, #tpu.memory_space<smem>>
    %get3A_220 = arith.index_cast %get3A_219 : i32 to index
    %get3A_221 = arith.constant 16 : index
    %get3A_222 = arith.constant 0 : index
    %get3A_223 = vector.load %arg8[%get3A_220, %get3A_221, %get3A_222] : memref<256x64x512xf32, #tpu.memory_space<vmem>>, vector<1x1x512xf32>
    %get3A_224 = vector.shape_cast %get3A_223 : vector<1x1x512xf32> to vector<1x512xf32>
    %mul3A_225 = arith.constant 16 : i32
    %mul3A_226 = arith.muli %arg0, %mul3A_225 : i32
    %add3A_227 = arith.constant 4080 : i32
    %add3A_228 = arith.addi %add3A_227, %mul3A_226 : i32
    %add3A_229 = arith.constant 1 : i32
    %add3A_230 = arith.addi %add3A_228, %add3A_229 : i32
    %get3A_231 = arith.index_cast %add3A_230 : i32 to index
    %get3A_232 = memref.load %arg1[%get3A_231] : memref<16320xi32, #tpu.memory_space<smem>>
    %get3A_233 = arith.index_cast %get3A_232 : i32 to index
    %get3A_234 = arith.constant 17 : index
    %get3A_235 = arith.constant 0 : index
    %get3A_236 = vector.load %arg8[%get3A_233, %get3A_234, %get3A_235] : memref<256x64x512xf32, #tpu.memory_space<vmem>>, vector<1x1x512xf32>
    %get3A_237 = vector.shape_cast %get3A_236 : vector<1x1x512xf32> to vector<1x512xf32>
    %mul3A_238 = arith.constant 16 : i32
    %mul3A_239 = arith.muli %arg0, %mul3A_238 : i32
    %add3A_240 = arith.constant 4080 : i32
    %add3A_241 = arith.addi %add3A_240, %mul3A_239 : i32
    %add3A_242 = arith.constant 2 : i32
    %add3A_243 = arith.addi %add3A_241, %add3A_242 : i32
    %get3A_244 = arith.index_cast %add3A_243 : i32 to index
    %get3A_245 = memref.load %arg1[%get3A_244] : memref<16320xi32, #tpu.memory_space<smem>>
    %get3A_246 = arith.index_cast %get3A_245 : i32 to index
    %get3A_247 = arith.constant 18 : index
    %get3A_248 = arith.constant 0 : index
    %get3A_249 = vector.load %arg8[%get3A_246, %get3A_247, %get3A_248] : memref<256x64x512xf32, #tpu.memory_space<vmem>>, vector<1x1x512xf32>
    %get3A_250 = vector.shape_cast %get3A_249 : vector<1x1x512xf32> to vector<1x512xf32>
    %mul3A_251 = arith.constant 16 : i32
    %mul3A_252 = arith.muli %arg0, %mul3A_251 : i32
    %add3A_253 = arith.constant 4080 : i32
    %add3A_254 = arith.addi %add3A_253, %mul3A_252 : i32
    %add3A_255 = arith.constant 3 : i32
    %add3A_256 = arith.addi %add3A_254, %add3A_255 : i32
    %get3A_257 = arith.index_cast %add3A_256 : i32 to index
    %get3A_258 = memref.load %arg1[%get3A_257] : memref<16320xi32, #tpu.memory_space<smem>>
    %get3A_259 = arith.index_cast %get3A_258 : i32 to index
    %get3A_260 = arith.constant 19 : index
    %get3A_261 = arith.constant 0 : index
    %get3A_262 = vector.load %arg8[%get3A_259, %get3A_260, %get3A_261] : memref<256x64x512xf32, #tpu.memory_space<vmem>>, vector<1x1x512xf32>
    %get3A_263 = vector.shape_cast %get3A_262 : vector<1x1x512xf32> to vector<1x512xf32>
    %mul3A_264 = arith.constant 16 : i32
    %mul3A_265 = arith.muli %arg0, %mul3A_264 : i32
    %add3A_266 = arith.constant 4080 : i32
    %add3A_267 = arith.addi %add3A_266, %mul3A_265 : i32
    %add3A_268 = arith.constant 4 : i32
    %add3A_269 = arith.addi %add3A_267, %add3A_268 : i32
    %get3A_270 = arith.index_cast %add3A_269 : i32 to index
    %get3A_271 = memref.load %arg1[%get3A_270] : memref<16320xi32, #tpu.memory_space<smem>>
    %get3A_272 = arith.index_cast %get3A_271 : i32 to index
    %get3A_273 = arith.constant 20 : index
    %get3A_274 = arith.constant 0 : index
    %get3A_275 = vector.load %arg8[%get3A_272, %get3A_273, %get3A_274] : memref<256x64x512xf32, #tpu.memory_space<vmem>>, vector<1x1x512xf32>
    %get3A_276 = vector.shape_cast %get3A_275 : vector<1x1x512xf32> to vector<1x512xf32>
    %mul3A_277 = arith.constant 16 : i32
    %mul3A_278 = arith.muli %arg0, %mul3A_277 : i32
    %add3A_279 = arith.constant 4080 : i32
    %add3A_280 = arith.addi %add3A_279, %mul3A_278 : i32
    %add3A_281 = arith.constant 5 : i32
    %add3A_282 = arith.addi %add3A_280, %add3A_281 : i32
    %get3A_283 = arith.index_cast %add3A_282 : i32 to index
    %get3A_284 = memref.load %arg1[%get3A_283] : memref<16320xi32, #tpu.memory_space<smem>>
    %get3A_285 = arith.index_cast %get3A_284 : i32 to index
    %get3A_286 = arith.constant 21 : index
    %get3A_287 = arith.constant 0 : index
    %get3A_288 = vector.load %arg8[%get3A_285, %get3A_286, %get3A_287] : memref<256x64x512xf32, #tpu.memory_space<vmem>>, vector<1x1x512xf32>
    %get3A_289 = vector.shape_cast %get3A_288 : vector<1x1x512xf32> to vector<1x512xf32>
    %mul3A_290 = arith.constant 16 : i32
    %mul3A_291 = arith.muli %arg0, %mul3A_290 : i32
    %add3A_292 = arith.constant 4080 : i32
    %add3A_293 = arith.addi %add3A_292, %mul3A_291 : i32
    %add3A_294 = arith.constant 6 : i32
    %add3A_295 = arith.addi %add3A_293, %add3A_294 : i32
    %get3A_296 = arith.index_cast %add3A_295 : i32 to index
    %get3A_297 = memref.load %arg1[%get3A_296] : memref<16320xi32, #tpu.memory_space<smem>>
    %get3A_298 = arith.index_cast %get3A_297 : i32 to index
    %get3A_299 = arith.constant 22 : index
    %get3A_300 = arith.constant 0 : index
    %get3A_301 = vector.load %arg8[%get3A_298, %get3A_299, %get3A_300] : memref<256x64x512xf32, #tpu.memory_space<vmem>>, vector<1x1x512xf32>
    %get3A_302 = vector.shape_cast %get3A_301 : vector<1x1x512xf32> to vector<1x512xf32>
    %mul3A_303 = arith.constant 16 : i32
    %mul3A_304 = arith.muli %arg0, %mul3A_303 : i32
    %add3A_305 = arith.constant 4080 : i32
    %add3A_306 = arith.addi %add3A_305, %mul3A_304 : i32
    %add3A_307 = arith.constant 7 : i32
    %add3A_308 = arith.addi %add3A_306, %add3A_307 : i32
    %get3A_309 = arith.index_cast %add3A_308 : i32 to index
    %get3A_310 = memref.load %arg1[%get3A_309] : memref<16320xi32, #tpu.memory_space<smem>>
    %get3A_311 = arith.index_cast %get3A_310 : i32 to index
    %get3A_312 = arith.constant 23 : index
    %get3A_313 = arith.constant 0 : index
    %get3A_314 = vector.load %arg8[%get3A_311, %get3A_312, %get3A_313] : memref<256x64x512xf32, #tpu.memory_space<vmem>>, vector<1x1x512xf32>
    %get3A_315 = vector.shape_cast %get3A_314 : vector<1x1x512xf32> to vector<1x512xf32>
    %mul3A_316 = arith.constant 16 : i32
    %mul3A_317 = arith.muli %arg0, %mul3A_316 : i32
    %add3A_318 = arith.constant 4080 : i32
    %add3A_319 = arith.addi %add3A_318, %mul3A_317 : i32
    %add3A_320 = arith.constant 8 : i32
    %add3A_321 = arith.addi %add3A_319, %add3A_320 : i32
    %get3A_322 = arith.index_cast %add3A_321 : i32 to index
    %get3A_323 = memref.load %arg1[%get3A_322] : memref<16320xi32, #tpu.memory_space<smem>>
    %get3A_324 = arith.index_cast %get3A_323 : i32 to index
    %get3A_325 = arith.constant 24 : index
    %get3A_326 = arith.constant 0 : index
    %get3A_327 = vector.load %arg8[%get3A_324, %get3A_325, %get3A_326] : memref<256x64x512xf32, #tpu.memory_space<vmem>>, vector<1x1x512xf32>
    %get3A_328 = vector.shape_cast %get3A_327 : vector<1x1x512xf32> to vector<1x512xf32>
    %mul3A_329 = arith.constant 16 : i32
    %mul3A_330 = arith.muli %arg0, %mul3A_329 : i32
    %add3A_331 = arith.constant 4080 : i32
    %add3A_332 = arith.addi %add3A_331, %mul3A_330 : i32
    %add3A_333 = arith.constant 9 : i32
    %add3A_334 = arith.addi %add3A_332, %add3A_333 : i32
    %get3A_335 = arith.index_cast %add3A_334 : i32 to index
    %get3A_336 = memref.load %arg1[%get3A_335] : memref<16320xi32, #tpu.memory_space<smem>>
    %get3A_337 = arith.index_cast %get3A_336 : i32 to index
    %get3A_338 = arith.constant 25 : index
    %get3A_339 = arith.constant 0 : index
    %get3A_340 = vector.load %arg8[%get3A_337, %get3A_338, %get3A_339] : memref<256x64x512xf32, #tpu.memory_space<vmem>>, vector<1x1x512xf32>
    %get3A_341 = vector.shape_cast %get3A_340 : vector<1x1x512xf32> to vector<1x512xf32>
    %mul3A_342 = arith.constant 16 : i32
    %mul3A_343 = arith.muli %arg0, %mul3A_342 : i32
    %add3A_344 = arith.constant 4080 : i32
    %add3A_345 = arith.addi %add3A_344, %mul3A_343 : i32
    %add3A_346 = arith.constant 10 : i32
    %add3A_347 = arith.addi %add3A_345, %add3A_346 : i32
    %get3A_348 = arith.index_cast %add3A_347 : i32 to index
    %get3A_349 = memref.load %arg1[%get3A_348] : memref<16320xi32, #tpu.memory_space<smem>>
    %get3A_350 = arith.index_cast %get3A_349 : i32 to index
    %get3A_351 = arith.constant 26 : index
    %get3A_352 = arith.constant 0 : index
    %get3A_353 = vector.load %arg8[%get3A_350, %get3A_351, %get3A_352] : memref<256x64x512xf32, #tpu.memory_space<vmem>>, vector<1x1x512xf32>
    %get3A_354 = vector.shape_cast %get3A_353 : vector<1x1x512xf32> to vector<1x512xf32>
    %mul3A_355 = arith.constant 16 : i32
    %mul3A_356 = arith.muli %arg0, %mul3A_355 : i32
    %add3A_357 = arith.constant 4080 : i32
    %add3A_358 = arith.addi %add3A_357, %mul3A_356 : i32
    %add3A_359 = arith.constant 11 : i32
    %add3A_360 = arith.addi %add3A_358, %add3A_359 : i32
    %get3A_361 = arith.index_cast %add3A_360 : i32 to index
    %get3A_362 = memref.load %arg1[%get3A_361] : memref<16320xi32, #tpu.memory_space<smem>>
    %get3A_363 = arith.index_cast %get3A_362 : i32 to index
    %get3A_364 = arith.constant 27 : index
    %get3A_365 = arith.constant 0 : index
    %get3A_366 = vector.load %arg8[%get3A_363, %get3A_364, %get3A_365] : memref<256x64x512xf32, #tpu.memory_space<vmem>>, vector<1x1x512xf32>
    %get3A_367 = vector.shape_cast %get3A_366 : vector<1x1x512xf32> to vector<1x512xf32>
    %mul3A_368 = arith.constant 16 : i32
    %mul3A_369 = arith.muli %arg0, %mul3A_368 : i32
    %add3A_370 = arith.constant 4080 : i32
    %add3A_371 = arith.addi %add3A_370, %mul3A_369 : i32
    %add3A_372 = arith.constant 12 : i32
    %add3A_373 = arith.addi %add3A_371, %add3A_372 : i32
    %get3A_374 = arith.index_cast %add3A_373 : i32 to index
    %get3A_375 = memref.load %arg1[%get3A_374] : memref<16320xi32, #tpu.memory_space<smem>>
    %get3A_376 = arith.index_cast %get3A_375 : i32 to index
    %get3A_377 = arith.constant 28 : index
    %get3A_378 = arith.constant 0 : index
    %get3A_379 = vector.load %arg8[%get3A_376, %get3A_377, %get3A_378] : memref<256x64x512xf32, #tpu.memory_space<vmem>>, vector<1x1x512xf32>
    %get3A_380 = vector.shape_cast %get3A_379 : vector<1x1x512xf32> to vector<1x512xf32>
    %mul3A_381 = arith.constant 16 : i32
    %mul3A_382 = arith.muli %arg0, %mul3A_381 : i32
    %add3A_383 = arith.constant 4080 : i32
    %add3A_384 = arith.addi %add3A_383, %mul3A_382 : i32
    %add3A_385 = arith.constant 13 : i32
    %add3A_386 = arith.addi %add3A_384, %add3A_385 : i32
    %get3A_387 = arith.index_cast %add3A_386 : i32 to index
    %get3A_388 = memref.load %arg1[%get3A_387] : memref<16320xi32, #tpu.memory_space<smem>>
    %get3A_389 = arith.index_cast %get3A_388 : i32 to index
    %get3A_390 = arith.constant 29 : index
    %get3A_391 = arith.constant 0 : index
    %get3A_392 = vector.load %arg8[%get3A_389, %get3A_390, %get3A_391] : memref<256x64x512xf32, #tpu.memory_space<vmem>>, vector<1x1x512xf32>
    %get3A_393 = vector.shape_cast %get3A_392 : vector<1x1x512xf32> to vector<1x512xf32>
    %mul3A_394 = arith.constant 16 : i32
    %mul3A_395 = arith.muli %arg0, %mul3A_394 : i32
    %add3A_396 = arith.constant 4080 : i32
    %add3A_397 = arith.addi %add3A_396, %mul3A_395 : i32
    %add3A_398 = arith.constant 14 : i32
    %add3A_399 = arith.addi %add3A_397, %add3A_398 : i32
    %get3A_400 = arith.index_cast %add3A_399 : i32 to index
    %get3A_401 = memref.load %arg1[%get3A_400] : memref<16320xi32, #tpu.memory_space<smem>>
    %get3A_402 = arith.index_cast %get3A_401 : i32 to index
    %get3A_403 = arith.constant 30 : index
    %get3A_404 = arith.constant 0 : index
    %get3A_405 = vector.load %arg8[%get3A_402, %get3A_403, %get3A_404] : memref<256x64x512xf32, #tpu.memory_space<vmem>>, vector<1x1x512xf32>
    %get3A_406 = vector.shape_cast %get3A_405 : vector<1x1x512xf32> to vector<1x512xf32>
    %mul3A_407 = arith.constant 16 : i32
    %mul3A_408 = arith.muli %arg0, %mul3A_407 : i32
    %add3A_409 = arith.constant 4080 : i32
    %add3A_410 = arith.addi %add3A_409, %mul3A_408 : i32
    %add3A_411 = arith.constant 15 : i32
    %add3A_412 = arith.addi %add3A_410, %add3A_411 : i32
    %get3A_413 = arith.index_cast %add3A_412 : i32 to index
    %get3A_414 = memref.load %arg1[%get3A_413] : memref<16320xi32, #tpu.memory_space<smem>>
    %get3A_415 = arith.index_cast %get3A_414 : i32 to index
    %get3A_416 = arith.constant 31 : index
    %get3A_417 = arith.constant 0 : index
    %get3A_418 = vector.load %arg8[%get3A_415, %get3A_416, %get3A_417] : memref<256x64x512xf32, #tpu.memory_space<vmem>>, vector<1x1x512xf32>
    %get3A_419 = vector.shape_cast %get3A_418 : vector<1x1x512xf32> to vector<1x512xf32>
    %mul3A_420 = arith.constant 16 : i32
    %mul3A_421 = arith.muli %arg0, %mul3A_420 : i32
    %add3A_422 = arith.constant 8160 : i32
    %add3A_423 = arith.addi %add3A_422, %mul3A_421 : i32
    %add3A_424 = arith.constant 0 : i32
    %add3A_425 = arith.addi %add3A_423, %add3A_424 : i32
    %get3A_426 = arith.index_cast %add3A_425 : i32 to index
    %get3A_427 = memref.load %arg1[%get3A_426] : memref<16320xi32, #tpu.memory_space<smem>>
    %get3A_428 = arith.index_cast %get3A_427 : i32 to index
    %get3A_429 = arith.constant 32 : index
    %get3A_430 = arith.constant 0 : index
    %get3A_431 = vector.load %arg8[%get3A_428, %get3A_429, %get3A_430] : memref<256x64x512xf32, #tpu.memory_space<vmem>>, vector<1x1x512xf32>
    %get3A_432 = vector.shape_cast %get3A_431 : vector<1x1x512xf32> to vector<1x512xf32>
    %mul3A_433 = arith.constant 16 : i32
    %mul3A_434 = arith.muli %arg0, %mul3A_433 : i32
    %add3A_435 = arith.constant 8160 : i32
    %add3A_436 = arith.addi %add3A_435, %mul3A_434 : i32
    %add3A_437 = arith.constant 1 : i32
    %add3A_438 = arith.addi %add3A_436, %add3A_437 : i32
    %get3A_439 = arith.index_cast %add3A_438 : i32 to index
    %get3A_440 = memref.load %arg1[%get3A_439] : memref<16320xi32, #tpu.memory_space<smem>>
    %get3A_441 = arith.index_cast %get3A_440 : i32 to index
    %get3A_442 = arith.constant 33 : index
    %get3A_443 = arith.constant 0 : index
    %get3A_444 = vector.load %arg8[%get3A_441, %get3A_442, %get3A_443] : memref<256x64x512xf32, #tpu.memory_space<vmem>>, vector<1x1x512xf32>
    %get3A_445 = vector.shape_cast %get3A_444 : vector<1x1x512xf32> to vector<1x512xf32>
    %mul3A_446 = arith.constant 16 : i32
    %mul3A_447 = arith.muli %arg0, %mul3A_446 : i32
    %add3A_448 = arith.constant 8160 : i32
    %add3A_449 = arith.addi %add3A_448, %mul3A_447 : i32
    %add3A_450 = arith.constant 2 : i32
    %add3A_451 = arith.addi %add3A_449, %add3A_450 : i32
    %get3A_452 = arith.index_cast %add3A_451 : i32 to index
    %get3A_453 = memref.load %arg1[%get3A_452] : memref<16320xi32, #tpu.memory_space<smem>>
    %get3A_454 = arith.index_cast %get3A_453 : i32 to index
    %get3A_455 = arith.constant 34 : index
    %get3A_456 = arith.constant 0 : index
    %get3A_457 = vector.load %arg8[%get3A_454, %get3A_455, %get3A_456] : memref<256x64x512xf32, #tpu.memory_space<vmem>>, vector<1x1x512xf32>
    %get3A_458 = vector.shape_cast %get3A_457 : vector<1x1x512xf32> to vector<1x512xf32>
    %mul3A_459 = arith.constant 16 : i32
    %mul3A_460 = arith.muli %arg0, %mul3A_459 : i32
    %add3A_461 = arith.constant 8160 : i32
    %add3A_462 = arith.addi %add3A_461, %mul3A_460 : i32
    %add3A_463 = arith.constant 3 : i32
    %add3A_464 = arith.addi %add3A_462, %add3A_463 : i32
    %get3A_465 = arith.index_cast %add3A_464 : i32 to index
    %get3A_466 = memref.load %arg1[%get3A_465] : memref<16320xi32, #tpu.memory_space<smem>>
    %get3A_467 = arith.index_cast %get3A_466 : i32 to index
    %get3A_468 = arith.constant 35 : index
    %get3A_469 = arith.constant 0 : index
    %get3A_470 = vector.load %arg8[%get3A_467, %get3A_468, %get3A_469] : memref<256x64x512xf32, #tpu.memory_space<vmem>>, vector<1x1x512xf32>
    %get3A_471 = vector.shape_cast %get3A_470 : vector<1x1x512xf32> to vector<1x512xf32>
    %mul3A_472 = arith.constant 16 : i32
    %mul3A_473 = arith.muli %arg0, %mul3A_472 : i32
    %add3A_474 = arith.constant 8160 : i32
    %add3A_475 = arith.addi %add3A_474, %mul3A_473 : i32
    %add3A_476 = arith.constant 4 : i32
    %add3A_477 = arith.addi %add3A_475, %add3A_476 : i32
    %get3A_478 = arith.index_cast %add3A_477 : i32 to index
    %get3A_479 = memref.load %arg1[%get3A_478] : memref<16320xi32, #tpu.memory_space<smem>>
    %get3A_480 = arith.index_cast %get3A_479 : i32 to index
    %get3A_481 = arith.constant 36 : index
    %get3A_482 = arith.constant 0 : index
    %get3A_483 = vector.load %arg8[%get3A_480, %get3A_481, %get3A_482] : memref<256x64x512xf32, #tpu.memory_space<vmem>>, vector<1x1x512xf32>
    %get3A_484 = vector.shape_cast %get3A_483 : vector<1x1x512xf32> to vector<1x512xf32>
    %mul3A_485 = arith.constant 16 : i32
    %mul3A_486 = arith.muli %arg0, %mul3A_485 : i32
    %add3A_487 = arith.constant 8160 : i32
    %add3A_488 = arith.addi %add3A_487, %mul3A_486 : i32
    %add3A_489 = arith.constant 5 : i32
    %add3A_490 = arith.addi %add3A_488, %add3A_489 : i32
    %get3A_491 = arith.index_cast %add3A_490 : i32 to index
    %get3A_492 = memref.load %arg1[%get3A_491] : memref<16320xi32, #tpu.memory_space<smem>>
    %get3A_493 = arith.index_cast %get3A_492 : i32 to index
    %get3A_494 = arith.constant 37 : index
    %get3A_495 = arith.constant 0 : index
    %get3A_496 = vector.load %arg8[%get3A_493, %get3A_494, %get3A_495] : memref<256x64x512xf32, #tpu.memory_space<vmem>>, vector<1x1x512xf32>
    %get3A_497 = vector.shape_cast %get3A_496 : vector<1x1x512xf32> to vector<1x512xf32>
    %mul3A_498 = arith.constant 16 : i32
    %mul3A_499 = arith.muli %arg0, %mul3A_498 : i32
    %add3A_500 = arith.constant 8160 : i32
    %add3A_501 = arith.addi %add3A_500, %mul3A_499 : i32
    %add3A_502 = arith.constant 6 : i32
    %add3A_503 = arith.addi %add3A_501, %add3A_502 : i32
    %get3A_504 = arith.index_cast %add3A_503 : i32 to index
    %get3A_505 = memref.load %arg1[%get3A_504] : memref<16320xi32, #tpu.memory_space<smem>>
    %get3A_506 = arith.index_cast %get3A_505 : i32 to index
    %get3A_507 = arith.constant 38 : index
    %get3A_508 = arith.constant 0 : index
    %get3A_509 = vector.load %arg8[%get3A_506, %get3A_507, %get3A_508] : memref<256x64x512xf32, #tpu.memory_space<vmem>>, vector<1x1x512xf32>
    %get3A_510 = vector.shape_cast %get3A_509 : vector<1x1x512xf32> to vector<1x512xf32>
    %mul3A_511 = arith.constant 16 : i32
    %mul3A_512 = arith.muli %arg0, %mul3A_511 : i32
    %add3A_513 = arith.constant 8160 : i32
    %add3A_514 = arith.addi %add3A_513, %mul3A_512 : i32
    %add3A_515 = arith.constant 7 : i32
    %add3A_516 = arith.addi %add3A_514, %add3A_515 : i32
    %get3A_517 = arith.index_cast %add3A_516 : i32 to index
    %get3A_518 = memref.load %arg1[%get3A_517] : memref<16320xi32, #tpu.memory_space<smem>>
    %get3A_519 = arith.index_cast %get3A_518 : i32 to index
    %get3A_520 = arith.constant 39 : index
    %get3A_521 = arith.constant 0 : index
    %get3A_522 = vector.load %arg8[%get3A_519, %get3A_520, %get3A_521] : memref<256x64x512xf32, #tpu.memory_space<vmem>>, vector<1x1x512xf32>
    %get3A_523 = vector.shape_cast %get3A_522 : vector<1x1x512xf32> to vector<1x512xf32>
    %mul3A_524 = arith.constant 16 : i32
    %mul3A_525 = arith.muli %arg0, %mul3A_524 : i32
    %add3A_526 = arith.constant 8160 : i32
    %add3A_527 = arith.addi %add3A_526, %mul3A_525 : i32
    %add3A_528 = arith.constant 8 : i32
    %add3A_529 = arith.addi %add3A_527, %add3A_528 : i32
    %get3A_530 = arith.index_cast %add3A_529 : i32 to index
    %get3A_531 = memref.load %arg1[%get3A_530] : memref<16320xi32, #tpu.memory_space<smem>>
    %get3A_532 = arith.index_cast %get3A_531 : i32 to index
    %get3A_533 = arith.constant 40 : index
    %get3A_534 = arith.constant 0 : index
    %get3A_535 = vector.load %arg8[%get3A_532, %get3A_533, %get3A_534] : memref<256x64x512xf32, #tpu.memory_space<vmem>>, vector<1x1x512xf32>
    %get3A_536 = vector.shape_cast %get3A_535 : vector<1x1x512xf32> to vector<1x512xf32>
    %mul3A_537 = arith.constant 16 : i32
    %mul3A_538 = arith.muli %arg0, %mul3A_537 : i32
    %add3A_539 = arith.constant 8160 : i32
    %add3A_540 = arith.addi %add3A_539, %mul3A_538 : i32
    %add3A_541 = arith.constant 9 : i32
    %add3A_542 = arith.addi %add3A_540, %add3A_541 : i32
    %get3A_543 = arith.index_cast %add3A_542 : i32 to index
    %get3A_544 = memref.load %arg1[%get3A_543] : memref<16320xi32, #tpu.memory_space<smem>>
    %get3A_545 = arith.index_cast %get3A_544 : i32 to index
    %get3A_546 = arith.constant 41 : index
    %get3A_547 = arith.constant 0 : index
    %get3A_548 = vector.load %arg8[%get3A_545, %get3A_546, %get3A_547] : memref<256x64x512xf32, #tpu.memory_space<vmem>>, vector<1x1x512xf32>
    %get3A_549 = vector.shape_cast %get3A_548 : vector<1x1x512xf32> to vector<1x512xf32>
    %mul3A_550 = arith.constant 16 : i32
    %mul3A_551 = arith.muli %arg0, %mul3A_550 : i32
    %add3A_552 = arith.constant 8160 : i32
    %add3A_553 = arith.addi %add3A_552, %mul3A_551 : i32
    %add3A_554 = arith.constant 10 : i32
    %add3A_555 = arith.addi %add3A_553, %add3A_554 : i32
    %get3A_556 = arith.index_cast %add3A_555 : i32 to index
    %get3A_557 = memref.load %arg1[%get3A_556] : memref<16320xi32, #tpu.memory_space<smem>>
    %get3A_558 = arith.index_cast %get3A_557 : i32 to index
    %get3A_559 = arith.constant 42 : index
    %get3A_560 = arith.constant 0 : index
    %get3A_561 = vector.load %arg8[%get3A_558, %get3A_559, %get3A_560] : memref<256x64x512xf32, #tpu.memory_space<vmem>>, vector<1x1x512xf32>
    %get3A_562 = vector.shape_cast %get3A_561 : vector<1x1x512xf32> to vector<1x512xf32>
    %mul3A_563 = arith.constant 16 : i32
    %mul3A_564 = arith.muli %arg0, %mul3A_563 : i32
    %add3A_565 = arith.constant 8160 : i32
    %add3A_566 = arith.addi %add3A_565, %mul3A_564 : i32
    %add3A_567 = arith.constant 11 : i32
    %add3A_568 = arith.addi %add3A_566, %add3A_567 : i32
    %get3A_569 = arith.index_cast %add3A_568 : i32 to index
    %get3A_570 = memref.load %arg1[%get3A_569] : memref<16320xi32, #tpu.memory_space<smem>>
    %get3A_571 = arith.index_cast %get3A_570 : i32 to index
    %get3A_572 = arith.constant 43 : index
    %get3A_573 = arith.constant 0 : index
    %get3A_574 = vector.load %arg8[%get3A_571, %get3A_572, %get3A_573] : memref<256x64x512xf32, #tpu.memory_space<vmem>>, vector<1x1x512xf32>
    %get3A_575 = vector.shape_cast %get3A_574 : vector<1x1x512xf32> to vector<1x512xf32>
    %mul3A_576 = arith.constant 16 : i32
    %mul3A_577 = arith.muli %arg0, %mul3A_576 : i32
    %add3A_578 = arith.constant 8160 : i32
    %add3A_579 = arith.addi %add3A_578, %mul3A_577 : i32
    %add3A_580 = arith.constant 12 : i32
    %add3A_581 = arith.addi %add3A_579, %add3A_580 : i32
    %get3A_582 = arith.index_cast %add3A_581 : i32 to index
    %get3A_583 = memref.load %arg1[%get3A_582] : memref<16320xi32, #tpu.memory_space<smem>>
    %get3A_584 = arith.index_cast %get3A_583 : i32 to index
    %get3A_585 = arith.constant 44 : index
    %get3A_586 = arith.constant 0 : index
    %get3A_587 = vector.load %arg8[%get3A_584, %get3A_585, %get3A_586] : memref<256x64x512xf32, #tpu.memory_space<vmem>>, vector<1x1x512xf32>
    %get3A_588 = vector.shape_cast %get3A_587 : vector<1x1x512xf32> to vector<1x512xf32>
    %mul3A_589 = arith.constant 16 : i32
    %mul3A_590 = arith.muli %arg0, %mul3A_589 : i32
    %add3A_591 = arith.constant 8160 : i32
    %add3A_592 = arith.addi %add3A_591, %mul3A_590 : i32
    %add3A_593 = arith.constant 13 : i32
    %add3A_594 = arith.addi %add3A_592, %add3A_593 : i32
    %get3A_595 = arith.index_cast %add3A_594 : i32 to index
    %get3A_596 = memref.load %arg1[%get3A_595] : memref<16320xi32, #tpu.memory_space<smem>>
    %get3A_597 = arith.index_cast %get3A_596 : i32 to index
    %get3A_598 = arith.constant 45 : index
    %get3A_599 = arith.constant 0 : index
    %get3A_600 = vector.load %arg8[%get3A_597, %get3A_598, %get3A_599] : memref<256x64x512xf32, #tpu.memory_space<vmem>>, vector<1x1x512xf32>
    %get3A_601 = vector.shape_cast %get3A_600 : vector<1x1x512xf32> to vector<1x512xf32>
    %mul3A_602 = arith.constant 16 : i32
    %mul3A_603 = arith.muli %arg0, %mul3A_602 : i32
    %add3A_604 = arith.constant 8160 : i32
    %add3A_605 = arith.addi %add3A_604, %mul3A_603 : i32
    %add3A_606 = arith.constant 14 : i32
    %add3A_607 = arith.addi %add3A_605, %add3A_606 : i32
    %get3A_608 = arith.index_cast %add3A_607 : i32 to index
    %get3A_609 = memref.load %arg1[%get3A_608] : memref<16320xi32, #tpu.memory_space<smem>>
    %get3A_610 = arith.index_cast %get3A_609 : i32 to index
    %get3A_611 = arith.constant 46 : index
    %get3A_612 = arith.constant 0 : index
    %get3A_613 = vector.load %arg8[%get3A_610, %get3A_611, %get3A_612] : memref<256x64x512xf32, #tpu.memory_space<vmem>>, vector<1x1x512xf32>
    %get3A_614 = vector.shape_cast %get3A_613 : vector<1x1x512xf32> to vector<1x512xf32>
    %mul3A_615 = arith.constant 16 : i32
    %mul3A_616 = arith.muli %arg0, %mul3A_615 : i32
    %add3A_617 = arith.constant 8160 : i32
    %add3A_618 = arith.addi %add3A_617, %mul3A_616 : i32
    %add3A_619 = arith.constant 15 : i32
    %add3A_620 = arith.addi %add3A_618, %add3A_619 : i32
    %get3A_621 = arith.index_cast %add3A_620 : i32 to index
    %get3A_622 = memref.load %arg1[%get3A_621] : memref<16320xi32, #tpu.memory_space<smem>>
    %get3A_623 = arith.index_cast %get3A_622 : i32 to index
    %get3A_624 = arith.constant 47 : index
    %get3A_625 = arith.constant 0 : index
    %get3A_626 = vector.load %arg8[%get3A_623, %get3A_624, %get3A_625] : memref<256x64x512xf32, #tpu.memory_space<vmem>>, vector<1x1x512xf32>
    %get3A_627 = vector.shape_cast %get3A_626 : vector<1x1x512xf32> to vector<1x512xf32>
    %mul3A_628 = arith.constant 16 : i32
    %mul3A_629 = arith.muli %arg0, %mul3A_628 : i32
    %add3A_630 = arith.constant 12240 : i32
    %add3A_631 = arith.addi %add3A_630, %mul3A_629 : i32
    %add3A_632 = arith.constant 0 : i32
    %add3A_633 = arith.addi %add3A_631, %add3A_632 : i32
    %get3A_634 = arith.index_cast %add3A_633 : i32 to index
    %get3A_635 = memref.load %arg1[%get3A_634] : memref<16320xi32, #tpu.memory_space<smem>>
    %get3A_636 = arith.index_cast %get3A_635 : i32 to index
    %get3A_637 = arith.constant 48 : index
    %get3A_638 = arith.constant 0 : index
    %get3A_639 = vector.load %arg8[%get3A_636, %get3A_637, %get3A_638] : memref<256x64x512xf32, #tpu.memory_space<vmem>>, vector<1x1x512xf32>
    %get3A_640 = vector.shape_cast %get3A_639 : vector<1x1x512xf32> to vector<1x512xf32>
    %mul3A_641 = arith.constant 16 : i32
    %mul3A_642 = arith.muli %arg0, %mul3A_641 : i32
    %add3A_643 = arith.constant 12240 : i32
    %add3A_644 = arith.addi %add3A_643, %mul3A_642 : i32
    %add3A_645 = arith.constant 1 : i32
    %add3A_646 = arith.addi %add3A_644, %add3A_645 : i32
    %get3A_647 = arith.index_cast %add3A_646 : i32 to index
    %get3A_648 = memref.load %arg1[%get3A_647] : memref<16320xi32, #tpu.memory_space<smem>>
    %get3A_649 = arith.index_cast %get3A_648 : i32 to index
    %get3A_650 = arith.constant 49 : index
    %get3A_651 = arith.constant 0 : index
    %get3A_652 = vector.load %arg8[%get3A_649, %get3A_650, %get3A_651] : memref<256x64x512xf32, #tpu.memory_space<vmem>>, vector<1x1x512xf32>
    %get3A_653 = vector.shape_cast %get3A_652 : vector<1x1x512xf32> to vector<1x512xf32>
    %mul3A_654 = arith.constant 16 : i32
    %mul3A_655 = arith.muli %arg0, %mul3A_654 : i32
    %add3A_656 = arith.constant 12240 : i32
    %add3A_657 = arith.addi %add3A_656, %mul3A_655 : i32
    %add3A_658 = arith.constant 2 : i32
    %add3A_659 = arith.addi %add3A_657, %add3A_658 : i32
    %get3A_660 = arith.index_cast %add3A_659 : i32 to index
    %get3A_661 = memref.load %arg1[%get3A_660] : memref<16320xi32, #tpu.memory_space<smem>>
    %get3A_662 = arith.index_cast %get3A_661 : i32 to index
    %get3A_663 = arith.constant 50 : index
    %get3A_664 = arith.constant 0 : index
    %get3A_665 = vector.load %arg8[%get3A_662, %get3A_663, %get3A_664] : memref<256x64x512xf32, #tpu.memory_space<vmem>>, vector<1x1x512xf32>
    %get3A_666 = vector.shape_cast %get3A_665 : vector<1x1x512xf32> to vector<1x512xf32>
    %mul3A_667 = arith.constant 16 : i32
    %mul3A_668 = arith.muli %arg0, %mul3A_667 : i32
    %add3A_669 = arith.constant 12240 : i32
    %add3A_670 = arith.addi %add3A_669, %mul3A_668 : i32
    %add3A_671 = arith.constant 3 : i32
    %add3A_672 = arith.addi %add3A_670, %add3A_671 : i32
    %get3A_673 = arith.index_cast %add3A_672 : i32 to index
    %get3A_674 = memref.load %arg1[%get3A_673] : memref<16320xi32, #tpu.memory_space<smem>>
    %get3A_675 = arith.index_cast %get3A_674 : i32 to index
    %get3A_676 = arith.constant 51 : index
    %get3A_677 = arith.constant 0 : index
    %get3A_678 = vector.load %arg8[%get3A_675, %get3A_676, %get3A_677] : memref<256x64x512xf32, #tpu.memory_space<vmem>>, vector<1x1x512xf32>
    %get3A_679 = vector.shape_cast %get3A_678 : vector<1x1x512xf32> to vector<1x512xf32>
    %mul3A_680 = arith.constant 16 : i32
    %mul3A_681 = arith.muli %arg0, %mul3A_680 : i32
    %add3A_682 = arith.constant 12240 : i32
    %add3A_683 = arith.addi %add3A_682, %mul3A_681 : i32
    %add3A_684 = arith.constant 4 : i32
    %add3A_685 = arith.addi %add3A_683, %add3A_684 : i32
    %get3A_686 = arith.index_cast %add3A_685 : i32 to index
    %get3A_687 = memref.load %arg1[%get3A_686] : memref<16320xi32, #tpu.memory_space<smem>>
    %get3A_688 = arith.index_cast %get3A_687 : i32 to index
    %get3A_689 = arith.constant 52 : index
    %get3A_690 = arith.constant 0 : index
    %get3A_691 = vector.load %arg8[%get3A_688, %get3A_689, %get3A_690] : memref<256x64x512xf32, #tpu.memory_space<vmem>>, vector<1x1x512xf32>
    %get3A_692 = vector.shape_cast %get3A_691 : vector<1x1x512xf32> to vector<1x512xf32>
    %mul3A_693 = arith.constant 16 : i32
    %mul3A_694 = arith.muli %arg0, %mul3A_693 : i32
    %add3A_695 = arith.constant 12240 : i32
    %add3A_696 = arith.addi %add3A_695, %mul3A_694 : i32
    %add3A_697 = arith.constant 5 : i32
    %add3A_698 = arith.addi %add3A_696, %add3A_697 : i32
    %get3A_699 = arith.index_cast %add3A_698 : i32 to index
    %get3A_700 = memref.load %arg1[%get3A_699] : memref<16320xi32, #tpu.memory_space<smem>>
    %get3A_701 = arith.index_cast %get3A_700 : i32 to index
    %get3A_702 = arith.constant 53 : index
    %get3A_703 = arith.constant 0 : index
    %get3A_704 = vector.load %arg8[%get3A_701, %get3A_702, %get3A_703] : memref<256x64x512xf32, #tpu.memory_space<vmem>>, vector<1x1x512xf32>
    %get3A_705 = vector.shape_cast %get3A_704 : vector<1x1x512xf32> to vector<1x512xf32>
    %mul3A_706 = arith.constant 16 : i32
    %mul3A_707 = arith.muli %arg0, %mul3A_706 : i32
    %add3A_708 = arith.constant 12240 : i32
    %add3A_709 = arith.addi %add3A_708, %mul3A_707 : i32
    %add3A_710 = arith.constant 6 : i32
    %add3A_711 = arith.addi %add3A_709, %add3A_710 : i32
    %get3A_712 = arith.index_cast %add3A_711 : i32 to index
    %get3A_713 = memref.load %arg1[%get3A_712] : memref<16320xi32, #tpu.memory_space<smem>>
    %get3A_714 = arith.index_cast %get3A_713 : i32 to index
    %get3A_715 = arith.constant 54 : index
    %get3A_716 = arith.constant 0 : index
    %get3A_717 = vector.load %arg8[%get3A_714, %get3A_715, %get3A_716] : memref<256x64x512xf32, #tpu.memory_space<vmem>>, vector<1x1x512xf32>
    %get3A_718 = vector.shape_cast %get3A_717 : vector<1x1x512xf32> to vector<1x512xf32>
    %mul3A_719 = arith.constant 16 : i32
    %mul3A_720 = arith.muli %arg0, %mul3A_719 : i32
    %add3A_721 = arith.constant 12240 : i32
    %add3A_722 = arith.addi %add3A_721, %mul3A_720 : i32
    %add3A_723 = arith.constant 7 : i32
    %add3A_724 = arith.addi %add3A_722, %add3A_723 : i32
    %get3A_725 = arith.index_cast %add3A_724 : i32 to index
    %get3A_726 = memref.load %arg1[%get3A_725] : memref<16320xi32, #tpu.memory_space<smem>>
    %get3A_727 = arith.index_cast %get3A_726 : i32 to index
    %get3A_728 = arith.constant 55 : index
    %get3A_729 = arith.constant 0 : index
    %get3A_730 = vector.load %arg8[%get3A_727, %get3A_728, %get3A_729] : memref<256x64x512xf32, #tpu.memory_space<vmem>>, vector<1x1x512xf32>
    %get3A_731 = vector.shape_cast %get3A_730 : vector<1x1x512xf32> to vector<1x512xf32>
    %mul3A_732 = arith.constant 16 : i32
    %mul3A_733 = arith.muli %arg0, %mul3A_732 : i32
    %add3A_734 = arith.constant 12240 : i32
    %add3A_735 = arith.addi %add3A_734, %mul3A_733 : i32
    %add3A_736 = arith.constant 8 : i32
    %add3A_737 = arith.addi %add3A_735, %add3A_736 : i32
    %get3A_738 = arith.index_cast %add3A_737 : i32 to index
    %get3A_739 = memref.load %arg1[%get3A_738] : memref<16320xi32, #tpu.memory_space<smem>>
    %get3A_740 = arith.index_cast %get3A_739 : i32 to index
    %get3A_741 = arith.constant 56 : index
    %get3A_742 = arith.constant 0 : index
    %get3A_743 = vector.load %arg8[%get3A_740, %get3A_741, %get3A_742] : memref<256x64x512xf32, #tpu.memory_space<vmem>>, vector<1x1x512xf32>
    %get3A_744 = vector.shape_cast %get3A_743 : vector<1x1x512xf32> to vector<1x512xf32>
    %mul3A_745 = arith.constant 16 : i32
    %mul3A_746 = arith.muli %arg0, %mul3A_745 : i32
    %add3A_747 = arith.constant 12240 : i32
    %add3A_748 = arith.addi %add3A_747, %mul3A_746 : i32
    %add3A_749 = arith.constant 9 : i32
    %add3A_750 = arith.addi %add3A_748, %add3A_749 : i32
    %get3A_751 = arith.index_cast %add3A_750 : i32 to index
    %get3A_752 = memref.load %arg1[%get3A_751] : memref<16320xi32, #tpu.memory_space<smem>>
    %get3A_753 = arith.index_cast %get3A_752 : i32 to index
    %get3A_754 = arith.constant 57 : index
    %get3A_755 = arith.constant 0 : index
    %get3A_756 = vector.load %arg8[%get3A_753, %get3A_754, %get3A_755] : memref<256x64x512xf32, #tpu.memory_space<vmem>>, vector<1x1x512xf32>
    %get3A_757 = vector.shape_cast %get3A_756 : vector<1x1x512xf32> to vector<1x512xf32>
    %mul3A_758 = arith.constant 16 : i32
    %mul3A_759 = arith.muli %arg0, %mul3A_758 : i32
    %add3A_760 = arith.constant 12240 : i32
    %add3A_761 = arith.addi %add3A_760, %mul3A_759 : i32
    %add3A_762 = arith.constant 10 : i32
    %add3A_763 = arith.addi %add3A_761, %add3A_762 : i32
    %get3A_764 = arith.index_cast %add3A_763 : i32 to index
    %get3A_765 = memref.load %arg1[%get3A_764] : memref<16320xi32, #tpu.memory_space<smem>>
    %get3A_766 = arith.index_cast %get3A_765 : i32 to index
    %get3A_767 = arith.constant 58 : index
    %get3A_768 = arith.constant 0 : index
    %get3A_769 = vector.load %arg8[%get3A_766, %get3A_767, %get3A_768] : memref<256x64x512xf32, #tpu.memory_space<vmem>>, vector<1x1x512xf32>
    %get3A_770 = vector.shape_cast %get3A_769 : vector<1x1x512xf32> to vector<1x512xf32>
    %mul3A_771 = arith.constant 16 : i32
    %mul3A_772 = arith.muli %arg0, %mul3A_771 : i32
    %add3A_773 = arith.constant 12240 : i32
    %add3A_774 = arith.addi %add3A_773, %mul3A_772 : i32
    %add3A_775 = arith.constant 11 : i32
    %add3A_776 = arith.addi %add3A_774, %add3A_775 : i32
    %get3A_777 = arith.index_cast %add3A_776 : i32 to index
    %get3A_778 = memref.load %arg1[%get3A_777] : memref<16320xi32, #tpu.memory_space<smem>>
    %get3A_779 = arith.index_cast %get3A_778 : i32 to index
    %get3A_780 = arith.constant 59 : index
    %get3A_781 = arith.constant 0 : index
    %get3A_782 = vector.load %arg8[%get3A_779, %get3A_780, %get3A_781] : memref<256x64x512xf32, #tpu.memory_space<vmem>>, vector<1x1x512xf32>
    %get3A_783 = vector.shape_cast %get3A_782 : vector<1x1x512xf32> to vector<1x512xf32>
    %mul3A_784 = arith.constant 16 : i32
    %mul3A_785 = arith.muli %arg0, %mul3A_784 : i32
    %add3A_786 = arith.constant 12240 : i32
    %add3A_787 = arith.addi %add3A_786, %mul3A_785 : i32
    %add3A_788 = arith.constant 12 : i32
    %add3A_789 = arith.addi %add3A_787, %add3A_788 : i32
    %get3A_790 = arith.index_cast %add3A_789 : i32 to index
    %get3A_791 = memref.load %arg1[%get3A_790] : memref<16320xi32, #tpu.memory_space<smem>>
    %get3A_792 = arith.index_cast %get3A_791 : i32 to index
    %get3A_793 = arith.constant 60 : index
    %get3A_794 = arith.constant 0 : index
    %get3A_795 = vector.load %arg8[%get3A_792, %get3A_793, %get3A_794] : memref<256x64x512xf32, #tpu.memory_space<vmem>>, vector<1x1x512xf32>
    %get3A_796 = vector.shape_cast %get3A_795 : vector<1x1x512xf32> to vector<1x512xf32>
    %mul3A_797 = arith.constant 16 : i32
    %mul3A_798 = arith.muli %arg0, %mul3A_797 : i32
    %add3A_799 = arith.constant 12240 : i32
    %add3A_800 = arith.addi %add3A_799, %mul3A_798 : i32
    %add3A_801 = arith.constant 13 : i32
    %add3A_802 = arith.addi %add3A_800, %add3A_801 : i32
    %get3A_803 = arith.index_cast %add3A_802 : i32 to index
    %get3A_804 = memref.load %arg1[%get3A_803] : memref<16320xi32, #tpu.memory_space<smem>>
    %get3A_805 = arith.index_cast %get3A_804 : i32 to index
    %get3A_806 = arith.constant 61 : index
    %get3A_807 = arith.constant 0 : index
    %get3A_808 = vector.load %arg8[%get3A_805, %get3A_806, %get3A_807] : memref<256x64x512xf32, #tpu.memory_space<vmem>>, vector<1x1x512xf32>
    %get3A_809 = vector.shape_cast %get3A_808 : vector<1x1x512xf32> to vector<1x512xf32>
    %mul3A_810 = arith.constant 16 : i32
    %mul3A_811 = arith.muli %arg0, %mul3A_810 : i32
    %add3A_812 = arith.constant 12240 : i32
    %add3A_813 = arith.addi %add3A_812, %mul3A_811 : i32
    %add3A_814 = arith.constant 14 : i32
    %add3A_815 = arith.addi %add3A_813, %add3A_814 : i32
    %get3A_816 = arith.index_cast %add3A_815 : i32 to index
    %get3A_817 = memref.load %arg1[%get3A_816] : memref<16320xi32, #tpu.memory_space<smem>>
    %get3A_818 = arith.index_cast %get3A_817 : i32 to index
    %get3A_819 = arith.constant 62 : index
    %get3A_820 = arith.constant 0 : index
    %get3A_821 = vector.load %arg8[%get3A_818, %get3A_819, %get3A_820] : memref<256x64x512xf32, #tpu.memory_space<vmem>>, vector<1x1x512xf32>
    %get3A_822 = vector.shape_cast %get3A_821 : vector<1x1x512xf32> to vector<1x512xf32>
    %mul3A_823 = arith.constant 16 : i32
    %mul3A_824 = arith.muli %arg0, %mul3A_823 : i32
    %add3A_825 = arith.constant 12240 : i32
    %add3A_826 = arith.addi %add3A_825, %mul3A_824 : i32
    %add3A_827 = arith.constant 15 : i32
    %add3A_828 = arith.addi %add3A_826, %add3A_827 : i32
    %get3A_829 = arith.index_cast %add3A_828 : i32 to index
    %get3A_830 = memref.load %arg1[%get3A_829] : memref<16320xi32, #tpu.memory_space<smem>>
    %get3A_831 = arith.index_cast %get3A_830 : i32 to index
    %get3A_832 = arith.constant 63 : index
    %get3A_833 = arith.constant 0 : index
    %get3A_834 = vector.load %arg8[%get3A_831, %get3A_832, %get3A_833] : memref<256x64x512xf32, #tpu.memory_space<vmem>>, vector<1x1x512xf32>
    %get3A_835 = vector.shape_cast %get3A_834 : vector<1x1x512xf32> to vector<1x512xf32>
    %concatenate3A = tpu.concatenate %get3A_16, %get3A_29, %get3A_42, %get3A_55, %get3A_68, %get3A_81, %get3A_94, %get3A_107, %get3A_120, %get3A_133, %get3A_146, %get3A_159, %get3A_172, %get3A_185, %get3A_198, %get3A_211, %get3A_224, %get3A_237, %get3A_250, %get3A_263, %get3A_276, %get3A_289, %get3A_302, %get3A_315, %get3A_328, %get3A_341, %get3A_354, %get3A_367, %get3A_380, %get3A_393, %get3A_406, %get3A_419, %get3A_432, %get3A_445, %get3A_458, %get3A_471, %get3A_484, %get3A_497, %get3A_510, %get3A_523, %get3A_536, %get3A_549, %get3A_562, %get3A_575, %get3A_588, %get3A_601, %get3A_614, %get3A_627, %get3A_640, %get3A_653, %get3A_666, %get3A_679, %get3A_692, %get3A_705, %get3A_718, %get3A_731, %get3A_744, %get3A_757, %get3A_770, %get3A_783, %get3A_796, %get3A_809, %get3A_822, %get3A_835 in 0 : vector<1x512xf32>, vector<1x512xf32>, vector<1x512xf32>, vector<1x512xf32>, vector<1x512xf32>, vector<1x512xf32>, vector<1x512xf32>, vector<1x512xf32>, vector<1x512xf32>, vector<1x512xf32>, vector<1x512xf32>, vector<1x512xf32>, vector<1x512xf32>, vector<1x512xf32>, vector<1x512xf32>, vector<1x512xf32>, vector<1x512xf32>, vector<1x512xf32>, vector<1x512xf32>, vector<1x512xf32>, vector<1x512xf32>, vector<1x512xf32>, vector<1x512xf32>, vector<1x512xf32>, vector<1x512xf32>, vector<1x512xf32>, vector<1x512xf32>, vector<1x512xf32>, vector<1x512xf32>, vector<1x512xf32>, vector<1x512xf32>, vector<1x512xf32>, vector<1x512xf32>, vector<1x512xf32>, vector<1x512xf32>, vector<1x512xf32>, vector<1x512xf32>, vector<1x512xf32>, vector<1x512xf32>, vector<1x512xf32>, vector<1x512xf32>, vector<1x512xf32>, vector<1x512xf32>, vector<1x512xf32>, vector<1x512xf32>, vector<1x512xf32>, vector<1x512xf32>, vector<1x512xf32>, vector<1x512xf32>, vector<1x512xf32>, vector<1x512xf32>, vector<1x512xf32>, vector<1x512xf32>, vector<1x512xf32>, vector<1x512xf32>, vector<1x512xf32>, vector<1x512xf32>, vector<1x512xf32>, vector<1x512xf32>, vector<1x512xf32>, vector<1x512xf32>, vector<1x512xf32>, vector<1x512xf32>, vector<1x512xf32> -> vector<64x512xf32>
    %slice3A = vector.extract_strided_slice %get3A_5 {offsets = [0, 0], sizes = [64, 256], strides = [1, 1]} : vector<64x512xf32> to vector<64x256xf32>
    %slice3A_836 = vector.extract_strided_slice %get3A_5 {offsets = [0, 256], sizes = [64, 256], strides = [1, 1]} : vector<64x512xf32> to vector<64x256xf32>
    %slice3A_837 = vector.extract_strided_slice %concatenate3A {offsets = [0, 0], sizes = [64, 256], strides = [1, 1]} : vector<64x512xf32> to vector<64x256xf32>
    %slice3A_838 = vector.extract_strided_slice %concatenate3A {offsets = [0, 256], sizes = [64, 256], strides = [1, 1]} : vector<64x512xf32> to vector<64x256xf32>
    %get3A_839 = arith.constant 0 : index
    %get3A_840 = arith.constant 0 : index
    %get3A_841 = vector.load %arg4[%get3A_839, %get3A_840] : memref<256x1024xf32, #tpu.memory_space<vmem>>, vector<256x1024xf32>
    %dot_general3A = arith.constant dense<0.000000e+00> : vector<64x1024xf32>
    %dot_general3A_842 = tpu.matmul %slice3A, %get3A_841, %dot_general3A {dimension_numbers = #tpu.dot_dimension_numbers<[1], [0], [0], [1], [0, 0, 1, 1], [], []>, transpose_lhs_hint = false} : vector<64x256xf32>, vector<256x1024xf32>, vector<64x1024xf32> -> vector<64x1024xf32>
    %get3A_843 = arith.constant 0 : index
    %get3A_844 = arith.constant 0 : index
    %get3A_845 = vector.load %arg5[%get3A_843, %get3A_844] : memref<256x1024xf32, #tpu.memory_space<vmem>>, vector<256x1024xf32>
    %dot_general3A_846 = arith.constant dense<0.000000e+00> : vector<64x1024xf32>
    %dot_general3A_847 = tpu.matmul %slice3A_837, %get3A_845, %dot_general3A_846 {dimension_numbers = #tpu.dot_dimension_numbers<[1], [0], [0], [1], [0, 0, 1, 1], [], []>, transpose_lhs_hint = false} : vector<64x256xf32>, vector<256x1024xf32>, vector<64x1024xf32> -> vector<64x1024xf32>
    %add3A_848 = arith.addf %dot_general3A_842, %dot_general3A_847 : vector<64x1024xf32>
    %get3A_849 = arith.constant 0 : index
    %get3A_850 = arith.constant 0 : index
    %get3A_851 = vector.load %arg6[%get3A_849, %get3A_850] : memref<1x1024xf32, #tpu.memory_space<vmem>>, vector<1x1024xf32>
    %add3A_852 = vector.broadcast %get3A_851 : vector<1x1024xf32> to vector<64x1024xf32>
    %add3A_853 = arith.addf %add3A_848, %add3A_852 : vector<64x1024xf32>
    %slice3A_854 = vector.extract_strided_slice %add3A_853 {offsets = [0, 0], sizes = [64, 256], strides = [1, 1]} : vector<64x1024xf32> to vector<64x256xf32>
    %logistic3A = arith.negf %slice3A_854 : vector<64x256xf32>
    %logistic3A_855 = math.exp %logistic3A : vector<64x256xf32>
    %logistic3A_856 = arith.constant 1.000000e+00 : f32
    %logistic3A_857 = vector.broadcast %logistic3A_856 : f32 to vector<64x256xf32>
    %logistic3A_858 = arith.addf %logistic3A_857, %logistic3A_855 : vector<64x256xf32>
    %logistic3A_859 = arith.divf %logistic3A_857, %logistic3A_858 : vector<64x256xf32>
    %slice3A_860 = vector.extract_strided_slice %add3A_853 {offsets = [0, 256], sizes = [64, 256], strides = [1, 1]} : vector<64x1024xf32> to vector<64x256xf32>
    %logistic3A_861 = arith.negf %slice3A_860 : vector<64x256xf32>
    %logistic3A_862 = math.exp %logistic3A_861 : vector<64x256xf32>
    %logistic3A_863 = arith.constant 1.000000e+00 : f32
    %logistic3A_864 = vector.broadcast %logistic3A_863 : f32 to vector<64x256xf32>
    %logistic3A_865 = arith.addf %logistic3A_864, %logistic3A_862 : vector<64x256xf32>
    %logistic3A_866 = arith.divf %logistic3A_864, %logistic3A_865 : vector<64x256xf32>
    %slice3A_867 = vector.extract_strided_slice %add3A_853 {offsets = [0, 512], sizes = [64, 256], strides = [1, 1]} : vector<64x1024xf32> to vector<64x256xf32>
    %logistic3A_868 = arith.negf %slice3A_867 : vector<64x256xf32>
    %logistic3A_869 = math.exp %logistic3A_868 : vector<64x256xf32>
    %logistic3A_870 = arith.constant 1.000000e+00 : f32
    %logistic3A_871 = vector.broadcast %logistic3A_870 : f32 to vector<64x256xf32>
    %logistic3A_872 = arith.addf %logistic3A_871, %logistic3A_869 : vector<64x256xf32>
    %logistic3A_873 = arith.divf %logistic3A_871, %logistic3A_872 : vector<64x256xf32>
    %slice3A_874 = vector.extract_strided_slice %add3A_853 {offsets = [0, 768], sizes = [64, 256], strides = [1, 1]} : vector<64x1024xf32> to vector<64x256xf32>
    %tanh3A = math.tanh %slice3A_874 : vector<64x256xf32>
    %mul3A_875 = arith.mulf %logistic3A_859, %tanh3A : vector<64x256xf32>
    %add3A_876 = arith.addf %slice3A_836, %slice3A_838 : vector<64x256xf32>
    %mul3A_877 = arith.mulf %logistic3A_873, %add3A_876 : vector<64x256xf32>
    %add3A_878 = arith.addf %mul3A_875, %mul3A_877 : vector<64x256xf32>
    %tanh3A_879 = math.tanh %add3A_878 : vector<64x256xf32>
    %mul3A_880 = arith.mulf %logistic3A_866, %tanh3A_879 : vector<64x256xf32>
    %concatenate3A_881 = tpu.concatenate %mul3A_880, %add3A_878 in 1 : vector<64x256xf32>, vector<64x256xf32> -> vector<64x512xf32>
    %get3A_882 = arith.constant 0 : index
    %get3A_883 = arith.constant 0 : index
    %get3A_884 = arith.constant 0 : index
    %get3A_885 = arith.constant 0 : index
    %get3A_886 = vector.load %arg3[%get3A_882, %get3A_883, %get3A_884, %get3A_885] : memref<4x1x16x1xf32, #tpu.memory_space<vmem>>, vector<4x1x16x1xf32>
    %get3A_887 = vector.shape_cast %get3A_886 : vector<4x1x16x1xf32> to vector<4x16x1xf32>
    %reshape3A = vector.shape_cast %get3A_887 : vector<4x16x1xf32> to vector<64x1xf32>
    %get3A_888 = arith.constant 0 : index
    %get3A_889 = arith.constant 0 : index
    %get3A_890 = arith.constant 0 : index
    %get3A_891 = arith.constant 0 : index
    %get3A_892 = vector.load %arg2[%get3A_888, %get3A_889, %get3A_890, %get3A_891] : memref<4x1x16x512xf32, #tpu.memory_space<vmem>>, vector<4x1x16x512xf32>
    %get3A_893 = vector.shape_cast %get3A_892 : vector<4x1x16x512xf32> to vector<4x16x512xf32>
    %reshape3A_894 = vector.shape_cast %get3A_893 : vector<4x16x512xf32> to vector<64x512xf32>
    %mul3A_895 = vector.broadcast %reshape3A : vector<64x1xf32> to vector<64x512xf32>
    %mul3A_896 = arith.mulf %mul3A_895, %concatenate3A_881 : vector<64x512xf32>
    %sub3A = arith.constant 1.000000e+00 : f32
    %sub3A_897 = vector.broadcast %sub3A : f32 to vector<64x1xf32>
    %sub3A_898 = arith.subf %sub3A_897, %reshape3A : vector<64x1xf32>
    %mul3A_899 = vector.broadcast %sub3A_898 : vector<64x1xf32> to vector<64x512xf32>
    %mul3A_900 = arith.mulf %mul3A_899, %reshape3A_894 : vector<64x512xf32>
    %add3A_901 = arith.addf %mul3A_896, %mul3A_900 : vector<64x512xf32>
    %add3A_902 = arith.constant 1 : i32
    %add3A_903 = arith.addi %arg0, %add3A_902 : i32
    %swap3A = arith.index_cast %add3A_903 : i32 to index
    %swap3A_904 = arith.constant 0 : index
    %swap3A_905 = arith.constant 0 : index
    %swap3A_906 = vector.load %arg8[%swap3A, %swap3A_904, %swap3A_905] : memref<256x64x512xf32, #tpu.memory_space<vmem>>, vector<1x64x512xf32>
    %swap3A_907 = vector.shape_cast %swap3A_906 : vector<1x64x512xf32> to vector<64x512xf32>
    %swap3A_908 = vector.shape_cast %add3A_901 : vector<64x512xf32> to vector<1x64x512xf32>
    tpu.vector_store %arg8[%swap3A, %swap3A_904, %swap3A_905], %swap3A_908 {strides = array<i32>} : memref<256x64x512xf32, #tpu.memory_space<vmem>>, vector<1x64x512xf32>,
    %eq3A_909 = arith.constant 254 : i32
    %eq3A_910 = arith.cmpi eq, %arg0, %eq3A_909 : i32
    %convert_element_type3A_911 = arith.extui %eq3A_910 : i1 to i32
    %cond3A_912 = arith.constant 0 : i32
    %cond3A_913 = arith.cmpi ne, %convert_element_type3A_911, %cond3A_912 : i32
    scf.if %cond3A_913 {
      %slice3A_914 = vector.extract_strided_slice %add3A_901 {offsets = [0, 0], sizes = [64, 256], strides = [1, 1]} : vector<64x512xf32> to vector<64x256xf32>
      %swap3A_915 = arith.constant 0 : index
      %swap3A_916 = arith.constant 0 : index
      %swap3A_917 = vector.load %arg7[%swap3A_915, %swap3A_916] : memref<64x256xf32, #tpu.memory_space<vmem>>, vector<64x256xf32>
      tpu.vector_store %arg7[%swap3A_915, %swap3A_916], %slice3A_914 {strides = array<i32>} : memref<64x256xf32, #tpu.memory_space<vmem>>, vector<64x256xf32>,
    } else {
    }
    return
  }
  func.func @transform_0(%arg0: i32, %arg1: memref<16320xi32, #tpu.memory_space<smem>>) -> (i32, i32, i32, i32) {
    %c0_i32 = arith.constant 0 : i32
    %c0_i32_0 = arith.constant 0 : i32
    %c0_i32_1 = arith.constant 0 : i32
    %c0_i32_2 = arith.constant 0 : i32
    return %c0_i32, %arg0, %c0_i32_0, %c0_i32_1 : i32, i32, i32, i32
  }
  func.func @transform_1(%arg0: i32, %arg1: memref<16320xi32, #tpu.memory_space<smem>>) -> (i32, i32, i32, i32) {
    %c0_i32 = arith.constant 0 : i32
    %c0_i32_0 = arith.constant 0 : i32
    %c0_i32_1 = arith.constant 0 : i32
    %c0_i32_2 = arith.constant 0 : i32
    return %c0_i32, %arg0, %c0_i32_0, %c0_i32_1 : i32, i32, i32, i32
  }
  func.func @transform_2(%arg0: i32, %arg1: memref<16320xi32, #tpu.memory_space<smem>>) -> (i32, i32) {
    %c0_i32 = arith.constant 0 : i32
    %c0_i32_0 = arith.constant 0 : i32
    %c0_i32_1 = arith.constant 0 : i32
    return %c0_i32, %c0_i32_0 : i32, i32
  }
  func.func @transform_3(%arg0: i32, %arg1: memref<16320xi32, #tpu.memory_space<smem>>) -> (i32, i32) {
    %c0_i32 = arith.constant 0 : i32
    %c0_i32_0 = arith.constant 0 : i32
    %c0_i32_1 = arith.constant 0 : i32
    return %c0_i32, %c0_i32_0 : i32, i32
  }
  func.func @transform_4(%arg0: i32, %arg1: memref<16320xi32, #tpu.memory_space<smem>>) -> (i32, i32) {
    %c0_i32 = arith.constant 0 : i32
    %c0_i32_0 = arith.constant 0 : i32
    %c0_i32_1 = arith.constant 0 : i32
    return %c0_i32, %c0_i32_0 : i32, i32
  }
  func.func @transform_5(%arg0: i32, %arg1: memref<16320xi32, #tpu.memory_space<smem>>) -> (i32, i32) {
    %c0_i32 = arith.constant 0 : i32
    %c0_i32_0 = arith.constant 0 : i32
    %c0_i32_1 = arith.constant 0 : i32
    return %c0_i32, %c0_i32_0 : i32, i32
  }
}

</mosaic_0001>

<sc_bundles>
// kernel: kernel.4.cloned.1.call-start
scs
__scs_entry_jumppad:
0x0: {  	(pc) =	sbr.rel $0x88, $3  }
0x1: {  	(tag) =	ssettag $0x0;
	lr =	simm.s32 $0x1  }
0x2: {  	[smem:$0x3F93] =	sst lr;
	_ =	strace $0xD0000000  }
0x3: {  	_ = 	snop  }
0x4: {  	_ = 	snop  }
0x5: {  	_ = 	snop  }
0x6: {  	_ = 	snop  }
0x7: {  	_ = 	snop  }
__scs_overlays_trampoline_lowered:
0x8: {  	[smem:$0x3FA2] =	sst s0  }
0x9: {  	[smem:$0x3FA3] =	sst s1  }
0xa: {  	[smem:$0x3FA4] =	sst s2  }
0xb: {  	[smem:$0x3FA5] =	sst s3  }
0xc: {  	[smem:$0x3FA6] =	sst s4  }
0xd: {  	[smem:$0x3FA7] =	sst s5  }
0xe: {  	[smem:$0x3FA8] =	sst s6  }
0xf: {  	[smem:$0x3FA9] =	sst s7  }
0x10: {  	[smem:$0x3FAA] =	sst s8  }
0x11: {  	[smem:$0x3FAB] =	sst s9;
	s0 =	simm.s32 @!p0 $0x0  }
0x12: {  	s1 =	sld [smem:$0x3F91];
	s0 =	simm.s32 @p0 $0x1  }
0x13: {  	[smem:$0x3FAC] =	sst s0;
	s0 =	simm.s32 @!p1 $0x0  }
0x14: {  	s2 =	sld [smem:$0x3F90];
	s0 =	simm.s32 @p1 $0x1  }
0x15: {  	[smem:$0x3FAD] =	sst s0;
	s0 =	simm.s32 @!p2 $0x0  }
0x16: {  	s3 =	sld [smem:$0x3FDB];
	s0 =	simm.s32 @p2 $0x1  }
0x17: {  	s4 =	simm.s32 $0x1BF5;
	[smem:$0x3FAF] =	sst s0  }
0x18: {  	s0 =	sld [smem:$0x3F92];
	_ =	swait.ge [sflag:s4], $0x0  }
0x19: {  	s7 =	sld [smem:$0x3F93]  }
0x1a: {  	s8 =	sadd.s32 $0xFFFFE003, lr  }
0x1b: {  	s9 =	sadd.s32 $0xFFFFFEF7, lr;
	s5 =	simm.s32 $0xFFFFFFFF;
	p2 =	slt.u32 s8, $0xFFFFF086  }
0x1c: {  	p1 =	slt.u32 s9, $0xF7A;
	s5 =	simm.s32 @!p2 $0x0  }
0x1d: {  	s5 =	simm.s32 @p1 $0x1;
	p0 =	seq.s32 s7, s2  }
0x1e: {  	s7 =	smul.u32 @!p0 $0xF7A, s2;
	p2 =	seq.s32 @!p0 s5, $0x0  }
0x1f: {  	s9 =	smul.u32 $0xF7A, s1;
	s8 =	simm.s32 @!p0 $0x1BF5;
	p2 =	por !p2, p0  }
0x20: {  	[sflag:s8] =	ssyncset.s32 @!p0 $0xFFFFF086;
	s6 =	sadd.s32 @!p0 s3, s7;
	s7 =	simm.s32 @!p0 $0x108  }
0x21: {  	s3 =	sadd.s32 s3, s9;
	s6 =	sadd.s32 @!p0 $0x88, s6;
	s7 =	simm.s32 @p2 $0x1082  }
0x22: {  	[simem:s7], [sflag:s8] =	dma.local @!p0 [hbm:s6], $0xF7A  }
0x23: {  	s9 =	sor.u32 $0xD0000000, s2;
	s6 =	simm.s32 $0x108;
	_ =	swait.ge @!p0 [sflag:s8], $0x0  }
0x24: {  	s3 =	sadd.s32 $0x88, s3;
	s6 =	simm.s32 @!p1 $0x1082;
	[sflag:s4] =	ssyncset.s32 $0xFFFFF086  }
0x25: {  	[simem:s6], [sflag:s4] =	dma.local [hbm:s3], $0xF7A  }
0x26: {  	[smem:$0x3F93] =	sst s1;
	(tag) =	ssettag s2;
	_ =	strace s9  }
0x27: {  	s1 =	sld [smem:$0x3FA3]  }
0x28: {  	s2 =	sld [smem:$0x3FA4]  }
0x29: {  	s4 =	sld [smem:$0x3FA6]  }
0x2a: {  	p0 =	seq.s32 s5, $0x0;
	s5 =	sld [smem:$0x3FA7]  }
0x2b: {  	s6 =	sld [smem:$0x3FA8]  }
0x2c: {  	s7 =	sld [smem:$0x3FA9]  }
0x2d: {  	s3 =	simm.s32 $0x108;
	s8 =	sld [smem:$0x3FAA]  }
0x2e: {  	s3 =	simm.s32 @!p0 $0x1082;
	s9 =	sld [smem:$0x3FAB]  }
0x2f: {  	lr =	sadd.s32 s0, s3;
	s0 =	sld [smem:$0x3FA2]  }
0x30: {  	s3 =	sld [smem:$0x3FA5]  }
0x31: {  	[smem:$0x3FAE] =	sst s10  }
0x32: {  	s10 =	sld [smem:$0x3FAC];
	_ =	sdelay $0x3  }
0x33: {  	p0 =	seq.s32 s10, $0x1;
	s10 =	sld [smem:$0x3FAE];
	_ =	sdelay $0x3  }
0x34: {  	[smem:$0x3FAE] =	sst s10  }
0x35: {  	s10 =	sld [smem:$0x3FAD];
	_ =	sdelay $0x3  }
0x36: {  	p1 =	seq.s32 s10, $0x1;
	s10 =	sld [smem:$0x3FAE];
	_ =	sdelay $0x3  }
0x37: {  	[smem:$0x3FAE] =	sst s10  }
0x38: {  	s10 =	sld [smem:$0x3FAF]  }
0x39: {  	_ = 	snop;
	(pc) =	sbr.ind lr, $3  }
0x3a: {  	_ = 	snop  }
0x3b: {  	_ = 	snop  }
0x3c: {  	p2 =	seq.s32 s10, $0x1;
	s10 =	sld [smem:$0x3FAE]  }
0x3d: {  	_ =	shalt  }
0x3e: {  	_ =	shalt  }
0x3f: {  	_ =	shalt  }
0x40: {  	_ =	shalt  }
0x41: {  	_ =	shalt  }
0x42: {  	_ =	shalt  }
0x43: {  	_ =	shalt  }
0x44: {  	_ =	shalt  }
0x45: {  	_ =	shalt  }
0x46: {  	_ =	shalt  }
0x47: {  	_ =	shalt  }
0x48: {  	_ =	shalt  }
0x49: {  	_ =	shalt  }
0x4a: {  	_ =	shalt  }
0x4b: {  	_ =	shalt  }
0x4c: {  	_ =	shalt  }
0x4d: {  	_ =	shalt  }
0x4e: {  	_ =	shalt  }
0x4f: {  	_ =	shalt  }
0x50: {  	_ =	shalt  }
0x51: {  	_ =	shalt  }
0x52: {  	_ =	shalt  }
0x53: {  	_ =	shalt  }
0x54: {  	_ =	shalt  }
0x55: {  	_ =	shalt  }
0x56: {  	_ =	shalt  }
0x57: {  	_ =	shalt  }
0x58: {  	_ =	shalt  }
0x59: {  	_ =	shalt  }
0x5a: {  	_ =	shalt  }
0x5b: {  	_ =	shalt  }
0x5c: {  	_ =	shalt  }
0x5d: {  	_ =	shalt  }
0x5e: {  	_ =	shalt  }
0x5f: {  	_ =	shalt  }
0x60: {  	_ =	shalt  }
0x61: {  	_ =	shalt  }
0x62: {  	_ =	shalt  }
0x63: {  	_ =	shalt  }
0x64: {  	_ =	shalt  }
0x65: {  	_ =	shalt  }
0x66: {  	_ =	shalt  }
0x67: {  	_ =	shalt  }
0x68: {  	_ =	shalt  }
0x69: {  	_ =	shalt  }
0x6a: {  	_ =	shalt  }
0x6b: {  	_ =	shalt  }
0x6c: {  	_ =	shalt  }
0x6d: {  	_ =	shalt  }
0x6e: {  	_ =	shalt  }
0x6f: {  	_ =	shalt  }
0x70: {  	_ =	shalt  }
0x71: {  	_ =	shalt  }
0x72: {  	_ =	shalt  }
0x73: {  	_ =	shalt  }
0x74: {  	_ =	shalt  }
0x75: {  	_ =	shalt  }
0x76: {  	_ =	shalt  }
0x77: {  	_ =	shalt  }
0x78: {  	_ =	shalt  }
0x79: {  	_ =	shalt  }
0x7a: {  	_ =	shalt  }
0x7b: {  	_ =	shalt  }
0x7c: {  	_ =	shalt  }
0x7d: {  	_ =	shalt  }
0x7e: {  	_ =	shalt  }
0x7f: {  	_ =	shalt  }
0x80: {  	_ =	shalt  }
0x81: {  	_ =	shalt  }
0x82: {  	_ =	shalt  }
0x83: {  	_ =	shalt  }
0x84: {  	_ =	shalt  }
0x85: {  	_ =	shalt  }
0x86: {  	_ =	shalt  }
0x87: {  	_ =	shalt  }
.Lfunc_end0:
.L_simem_size_0:
called_computation_lowered:
.L_overlay_start_0:
0x88: {  	s2 =	sld [smem:$0x3FD9]  }
0x89: {  	s3 =	sld [smem:$0x3FFE];
	_ =	sdelay $0x1  }
0x8a: {  	s1 =	srdreg.scid  }
0x8b: {  	s0 =	sand.u32 $0x1, s1  }
0x8c: {  	s17 =	sshll.u32 s0, $0xA;
	s2 =	sadd.s32 s3, s2  }
0x8d: {  	s2 =	sadd.s32 s2, s17  }
0x8e: {  	[smem:$0x3FBA] =	sst s2  }
0x8f: {  	_ = 	snop  }
0x90: {  	s2 =	sld [smem:$0x3FD0];
	(tm) =	ssettm $0x1  }
0x91: {  	s18 =	sld [smem:$0x3FFB];
	_ =	sdelay $0x3  }
0x92: {  	_ =	strace s18  }
0x93: {  	s3 =	sld [smem:$0x3FFC];
	_ =	sdelay $0x3  }
0x94: {  	_ =	strace s3  }
0x95: {  	s3 =	sld [smem:$0x3FFD];
	_ =	sdelay $0x3  }
0x96: {  	_ =	strace s3  }
0x97: {  	_ =	strace $0x8FFFFFFF  }
0x98: {  	s19 =	sld [smem:$0x3FDB];
	_ =	sdelay $0x1  }
0x99: {  	s4 =	simm.s32 $_scs_section_size  }
0x9a: {  	s5 =	simm.s32 $_size__tile_overlayer_lowered;
	s6 =	simm.s32 $_tile_overlayer_lowered  }
0x9b: {  	s22 =	simm.s32 $0x1BFF;
	s21 =	sshll.u32 s6, $0x1;
	s3 =	sadd.s32 s4, s19  }
0x9c: {  	s7 =	simm.s32 $0x0;
	s20 =	sshll.u32 s5, $0x1;
	s5 =	sadd.s32 s21, s3  }
0x9d: {  	[timem:s7], [sflag:s22] =	dma.local [hbm:s5], s20  }
0x9e: {  	_ =	swait.ge [sflag:s22], s20  }
0x9f: {  	s4 =	ssub.s32 $0x0, s20;
	[sflag:s22] =	ssyncset.done $0x0  }
0xa0: {  	[sflag:s22] =	ssyncadd.s32 s4;
	_ =	sdelay $0x1  }
0xa1: {  	s23 =	simm.s32 $0x1B8B  }
0xa2: {  	_ =	swait.ge [sflag:s23], $0x1  }
0xa3: {  	[sflag:s23] =	ssyncset.done $0x0  }
0xa4: {  	s25 =	simm.s32 $0x1B8E;
	s24 =	sld [smem:$0x3FFE];
	[sflag:s23] =	ssyncadd.s32 $0xFFFFFFFF  }
0xa5: {  	s26 =	simm.s32 $execute0_lowered;
	[smem:$0x3FD2] =	sst s25  }
0xa6: {  	s5 =	sshll.u32 s26, $0x1;
	_ =	strace $0x80000046;
	[dreg:$0x1] =	wrdreg $0xFFFFFFFF  }
0xa7: {  	s28 =	simm.s32 $_size_execute0_lowered;
	s3 =	sadd.s32 s3, s5;
	[dreg:$0x0] =	wrdreg $0x0  }
0xa8: {  	s5 =	sshll.u32 s28, $0x1;
	[dreg:$0x2] =	wrdreg s3  }
0xa9: {  	[dreg:$0x3] =	wrdreg s5  }
0xaa: {  	[dreg:$0x4] =	wrdreg $0xC0  }
0xab: {  	_ =	task [dreg:s7], $0x5FFFF  }
0xac: {  	[dreg:$0x1] =	wrdreg $0xFFFFFFFF  }
0xad: {  	[dreg:$0x0] =	wrdreg $0x60  }
0xae: {  	[dreg:$0x2] =	wrdreg s2  }
0xaf: {  	[dreg:$0x3] =	wrdreg s24  }
0xb0: {  	[dreg:$0x4] =	wrdreg $0x9  }
0xb1: {  	_ =	task.clear_ibuf [dreg:s7], $0x5FFFF;
	_ =	strace $0x90000046  }
0xb2: {  	s29 =	simm.s32 $0x9;
	_ =	strace $0x80000048  }
0xb3: {  	_ =	swait.ge [sflag:s29], $0x1  }
0xb4: {  	[sflag:s29] =	ssyncadd.s32 $0xFFFFFFFF  }
0xb5: {  	_ =	strace $0x90000048  }
0xb6: {  	_ =	sfence  }
0xb7: {  	s30 =	sld [smem:$0x0];
	_ =	sdelay $0x2  }
0xb8: {  	s31 =	sshll.u32 s1, $0xD;
	s1 =	sshrl.u32 s1, $0x2  }
0xb9: {  	s3 =	sand.u32 $0x4000, s31;
	s1 =	sadd.s32 s1, s30  }
0xba: {  	s0 =	sor.u32 s3, s0;
	s1 =	sshll.u32 s1, $0x11  }
0xbb: {  	s0 =	sor.u32 s1, s0  }
0xbc: {  	s0 =	sadd.s32 $0x8F2B, s0  }
0xbd: {  	[sflag:s0] =	ssyncadd.remote.s32 $0x1  }
0xbe: {  	_ =	sfence.sel $0xFFFF  }
0xbf: {  	[dreg:$0x0] =	wrdreg $0xFFFFFFFF;
	(pc) =	sbr.abs _section_cstart, $3  }
0xc0: {  	[dreg:$0x1] =	wrdreg $0xFFFFFFFF  }
0xc1: {  	_ =	task.clear_ibuf [dreg:s7], $0x2FFFF;
	_ =	strace $0x9FFFFFFF  }
0xc2: {  	(tm) =	ssettm $0x7FFFFFFF  }
0xc3: {  	_ =	shalt  }
tec
execute0_lowered:
.L_overlay_start_1:
0x0: {  	(tag) =	ssettag $0x1  }
0x1: {  	s0 =	rddreg [dreg:$0x0]  }
0x2: {  	s1 =	rddreg [dreg:$0x1];
	s19 =	stileid.u32  }
0x3: {  	s2 =	simm.s32 $0x0;
	s3 =	srdreg.scid;
	s9 =	sshrl.u32 s19, $0x1  }
0x4: {  	s28 =	simm.s32 $0x0;
	s4 =	sshll.u32 s19, $0x1;
	s8 =	smul.u32 $0x140, s9  }
0x5: {  	[smem:$0x7FF] =	sst s2;
	s21 =	sor.u32 $0x8, s9;
	s22 =	smul.u32 $0xA000, s9  }
0x6: {  	s5 =	sand.u32 $0x1, s3;
	s12 =	sor.u32 $0x10, s9;
	s10 =	smul.u32 $0x140, s21  }
0x7: {  	s3 =	sadd.s32 $0x102400, s1;
	s11 =	sadd.s32 $0x2C00, s1;
	s13 =	smul.u32 $0x140, s12  }
0x8: {  	p1 =	sgt.u32 s19, $0x5;
	s29 =	sor.u32 $0x18, s9;
	s12 =	smul.u32 $0xA000, s12  }
0x9: {  	s4 =	sand.u32 $0x2, s4;
	s15 =	sor.u32 $0x20, s9;
	s30 =	smul.u32 $0x140, s29  }
0xa: {  	_ =	strace $0x80000047;
	s16 =	sor.u32 $0x28, s9;
	s14 =	smul.u32 $0x140, s15  }
0xb: {  	s20 =	sor.u32 $0x30, s9;
	p0 =	sne.s32 s9, $0x0;
	s18 =	smul.u32 $0xA000, s15  }
0xc: {  	s4 =	sor.u32 s5, s4;
	s5 =	ssub.s32 $0x2, s5;
	s17 =	smul.u32 $0xA000, s16  }
0xd: {  	s26 =	sshll.u32 s4, $0x4;
	s7 =	sshrl.u32 s5, $0x1;
	s4 =	smul.u32 $0x1FE000, s4  }
0xe: {  	s23 =	sshrl.u32 s8, $0x2;
	s6 =	sadd.s32 s26, s1;
	s5 =	ssub.s32 s5, s7  }
0xf: {  	s0 =	sadd.s32 s0, s26;
	[dreg:$0xe] =	wrdreg s23;
	s7 =	sadd.s32 $0x102500, s1  }
0x10: {  	s8 =	sshrl.u32 s10, $0x2;
	s10 =	sshrl.u32 s13, $0x2;
	s14 =	sshrl.u32 s14, $0x2  }
0x11: {  	[dreg:$0x3] =	wrdreg s0;
	s6 =	sadd.s32 $0x2400, s6;
	s24 =	sadd.s32 s22, s4  }
0x12: {  	s0 =	smul.u32 $0xA000, s21;
	s31 =	sadd.s32 s12, s4;
	s12 =	sshrl.u32 s30, $0x2  }
0x13: {  	s21 =	sadd.s32 s18, s4;
	s22 =	smul.u32 $0xA000, s20;
	[dreg:$0x4] =	wrdreg s6  }
0x14: {  	s25 =	sshrl.u32 s24, $0x3;
	s23 =	sshrl.u32 s21, $0x3;
	s0 =	sadd.s32 s0, s4  }
0x15: {  	s24 =	smul.u32 $0x140, s20;
	s1 =	sadd.s32 s11, s25;
	s0 =	sshrl.u32 s0, $0x3  }
0x16: {  	[dreg:$0x5] =	wrdreg s1;
	s1 =	smul.u32 $0xA000, s29;
	s0 =	sadd.s32 s11, s0  }
0x17: {  	s25 =	sadd.s32 s17, s4;
	[dreg:$0x6] =	wrdreg s0;
	s0 =	sshrl.u32 s31, $0x3  }
0x18: {  	s1 =	sadd.s32 s1, s4;
	s4 =	sadd.s32 s22, s4;
	s31 =	smax.u32 s5, $0x1  }
0x19: {  	s0 =	sadd.s32 s11, s0;
	s1 =	sshrl.u32 s1, $0x3;
	[dreg:$0xc] =	wrdreg s31  }
0x1a: {  	v0 =	vmov s26;
	s29 =	sshrl.u32 s4, $0x3;
	[dreg:$0x7] =	wrdreg s0;
	s1 =	sadd.s32 s11, s1  }
.Ltmp0:
0x1b: {  	v1 =	vmul.u32 $0xFF, v0;
	s0 =	sadd.s32 s11, s23;
	[dreg:$0x8] =	wrdreg s1;
	(pc) =	sbr.rel .LBB2_1-.Ltmp0, $4  }
0x1c: {  	v0 =	vlaneseq.u32;
	s6 =	smul.u32 $0x140, s16;
	s30 =	sadd.s32 s11, s29;
	[dreg:$0x9] =	wrdreg s0  }
0x1d: {  	v2 =	vmul.u32 $0xFF, v0;
	v1 =	vbroadcast v1, $0x0;
	s1 =	sshrl.u32 s24, $0x2;
	s0 =	sshrl.u32 s25, $0x3;
	[dreg:$0xb] =	wrdreg s30  }
0x1e: {  	vm0 =	vmmov $0xffff;
	s26 =	simm.s32 $0x1;
	v3 =	vshrl.u32 v0, $0x3;
	v4 =	vor.u32 $0x8, v0;
	[dreg:$0xd] =	wrdreg s1;
	s0 =	sadd.s32 s11, s0  }
0x1f: {  	v3 =	vmul.u32 $0x8, v3;
	s16 =	sshrl.u32 s6, $0x2;
	v1 =	vadd.s32 v2, v1;
	v2 =	vand.u32 $0x7, v0;
	s24 =	simm.s32 $0x3;
	[dreg:$0xa] =	wrdreg s0  }
.LBB2_5:
0x20: {  	_ =	swait.ge [sflag:s30], $0xA000  }
0x21: {  	[sflag:s30] =	ssyncset.done $0x0  }
0x22: {  	[sflag:s30] =	ssyncadd.s32 $0xFFFF6000  }
0x23: {  	[hbm4b:s0+s2] =	stream.linear.scatter [tilespmem:s29], [sflag:$0x3], $0xA000, $0x38;
	[tilespmem:$0x18000] =	vst v63  }
0x24: {  	_ =	swait.ge [sflag:s24], $0xA000  }
0x25: {  	s28 =	sadd.s32 $0x1, s28;
	s31 =	rddreg [dreg:$0xc]  }
0x26: {  	p2 =	sne.s32 s28, s31  }
.Ltmp1:
0x27: {  	_ = 	snop;
	(pc) =	sbr.rel @!p2 .LBB2_6-.Ltmp1, $3  }
0x28: {  	_ =	sdelay $0x1  }
0x29: {  	[sflag:s24] =	ssyncset.done $0x0  }
0x2a: {  	[sflag:s24] =	ssyncadd.s32 $0xFFFF6000  }
.LBB2_1:
0x2b: {  	v7 =	vimm.s32 $0x0;
	s29 =	simm.s32 $0x3000  }
0x2c: {  	s0 =	rddreg [dreg:$0x3];
	s1 =	simm.s32 $0x80;
	s22 =	simm.s32 $0x200;
	v5 =	vadd.s32 $0xFFFFFFFE, v7  }
0x2d: {  	[tilespmem:s29], [sflag:$0x3] =	stream.strided.gather [hbm4b:s0+s1], $0x1000, s22, s1, $0x38;
	vm1 =	vgt.s32 v5, $0x0;
	[tilespmem:$0x18000] =	vst v63  }
0x2e: {  	_ =	swait.ge [sflag:s24], $0x1000;
	v6 =	vnsel vm1, $0x0, v5  }
0x2f: {  	[sflag:s24] =	ssyncset.done $0x0;
	v6 =	vmin.u32 v6, $0xFE  }
0x30: {  	[sflag:s24] =	ssyncadd.s32 $0xFFFFF000;
	v6 =	vshll.u32 v6, $0x4  }
0x31: {  	v8 =	vld [tilespmem:s29+$0x0];
	v6 =	vor.u32 v0, v6;
	_ =	sdelay $0x4  }
0x32: {  	vm2 =	veq.s32 v8, $0x1;
	v10 =	vld.idx.msk [tilespmem:v6+s2+$0x0], $0xffff  }
0x33: {  	vm1 =	vgt.s32 v7, $0x0;
	v9 =	vsub.s32 v7, v8;
	v5 =	vsel vm2, v5, v7  }
0x34: {  	v8 =	vnsel vm1, $0x0, v7;
	v6 =	vadd.s32 $0x1, v9;
	vm2 =	vgt.s32 v5, $0x0  }
0x35: {  	v11 =	vmin.u32 v8, $0xFE;
	vm1 =	vgt.s32 v6, $0x0;
	v9 =	vnsel vm2, $0x0, v5  }
0x36: {  	v8 =	vnsel vm1, $0x0, v6;
	vm1 =	vgt.s32 v7, $0x1;
	v7 =	vmin.u32 v9, $0xFE  }
0x37: {  	s30 =	simm.s32 $0x1000;
	v7 =	vshll.u32 v7, $0x4;
	v10 =	vnsel vm1, $0x0, v10  }
0x38: {  	[tilespmem:s30+$0x0] =	vst v10;
	v10 =	vor.u32 v0, v7;
	_ =	sdelay $0x1  }
0x39: {  	v5 =	vmin.u32 v8, $0xFE;
	v8 =	vadd.s32 $0x1, v9  }
0x3a: {  	s31 =	simm.s32 $0x2000;
	v11 =	vadd.s32 v11, v1;
	v9 =	vadd.s32 $0xFFFFFFFE, v8  }
0x3b: {  	s0 =	simm.s32 $0x2;
	s1 =	simm.s32 $0x3;
	vm1 =	vgt.s32 v9, $0x0;
	[tilespmem:s31+$0x0] =	vst v11;
	v11 =	vmov s26;
	v7 =	vmov v8  }
.LBB2_2:
0x3c: {  	v12 =	vnsel vm1, $0x0, v9;
	[tilespmem:v10+s2+$0x0] =	vst.idx.msk $0xffff, v11;
	s29 =	sadd.s32 $0x10, s29;
	s30 =	sadd.s32 $0x10, s30;
	s31 =	sadd.s32 $0x10, s31  }
0x3d: {  	p2 =	sne.s32 s1, $0xFF;
	s22 =	smov.u32 s1;
	s1 =	sadd.s32 $0x1, s1;
	v10 =	vmin.u32 v12, $0xFE;
	v11 =	vld [tilespmem:s29+$0x0]  }
0x3e: {  	v10 =	vshll.u32 v10, $0x4  }
0x3f: {  	v10 =	vor.u32 v0, v10;
	_ =	sdelay $0x2  }
0x40: {  	vm1 =	veq.s32 v11, $0x1;
	v6 =	vsub.s32 v6, v11  }
0x41: {  	v8 =	vsel vm1, v9, v8;
	v6 =	vadd.s32 $0x1, v6  }
0x42: {  	vm1 =	vgt.s32 v6, $0x0;
	v9 =	vld.idx.msk [tilespmem:v10+s2+$0x0], $0xffff;
	vm2 =	vgt.s32 v8, $0x0  }
0x43: {  	v10 =	vnsel vm1, $0x0, v6;
	v8 =	vnsel vm2, $0x0, v8  }
0x44: {  	v11 =	vmin.u32 v10, $0xFE;
	v10 =	vmin.u32 v8, $0xFE;
	v8 =	vadd.s32 $0x1, v8  }
0x45: {  	v10 =	vshll.u32 v10, $0x4  }
.Ltmp2:
0x46: {  	v10 =	vor.u32 v0, v10;
	(pc) =	sbr.rel @p2 .LBB2_2-.Ltmp2, $4  }
0x47: {  	vm1 =	vgt.s32 v7, $0x1;
	v7 =	vmov v8  }
0x48: {  	v12 =	vnsel vm1, $0x0, v9  }
0x49: {  	v9 =	vadd.s32 $0xFFFFFFFE, v8;
	[tilespmem:s30+$0x0] =	vst v12;
	v12 =	vadd.s32 v5, v1;
	v5 =	vmov v11  }
0x4a: {  	vm1 =	vgt.s32 v9, $0x0;
	v11 =	vmov s0;
	s0 =	smov.u32 s22;
	[tilespmem:s31+$0x0] =	vst v12  }
0x4b: {  	_ =	sdelay $0x3  }
0x4c: {  	[tilespmem:v10+s2+$0x0] =	vst.idx.msk $0xffff, v11;
	s1 =	sadd.s32 $0x10, s29  }
0x4d: {  	v62 =	vnsel vm1, $0x0, v9;
	v6 =	vld [tilespmem:s1+$0x0]  }
0x4e: {  	v10 =	vmin.u32 v62, $0xFE  }
0x4f: {  	v10 =	vshll.u32 v10, $0x4  }
0x50: {  	v10 =	vor.u32 v0, v10;
	_ =	sdelay $0x1  }
0x51: {  	vm1 =	veq.s32 v6, $0x1  }
0x52: {  	v6 =	vsel vm1, v9, v8  }
0x53: {  	vm1 =	vgt.s32 v6, $0x0  }
0x54: {  	v63 =	vld.idx.msk [tilespmem:v10+s2+$0x0], $0xffff;
	v6 =	vnsel vm1, $0x0, v6  }
0x55: {  	v6 =	vmin.u32 v6, $0xFE  }
0x56: {  	v6 =	vshll.u32 v6, $0x4  }
0x57: {  	v6 =	vor.u32 v0, v6  }
0x58: {  	vm1 =	vgt.s32 v7, $0x1  }
0x59: {  	s5 =	sadd.s32 $0x10, s30;
	v7 =	vnsel vm1, $0x0, v63  }
0x5a: {  	s22 =	sadd.s32 $0x10, s31;
	v5 =	vadd.s32 v5, v1;
	[tilespmem:s5+$0x0] =	vst v7  }
0x5b: {  	s29 =	rddreg [dreg:$0x4];
	[tilespmem:s22+$0x0] =	vst v5;
	v5 =	vmov s0  }
0x5c: {  	s1 =	simm.s32 @!p0 $0x200;
	s0 =	simm.s32 @!p0 $0x80;
	s22 =	simm.s32 @!p0 $0x1000;
	[tilespmem:v6+s2+$0x0] =	vst.idx.msk $0xffff, v5  }
0x5d: {  	[hbm4b:s29+s0] =	stream.strided.scatter @!p0 [tilespmem:s22], [sflag:$0x3], $0x1000, s1, s0, $0x38;
	[tilespmem:$0x18000] =	vst v63  }
0x5e: {  	s0 =	simm.s32 @!p0 $0x3  }
0x5f: {  	_ =	swait.ge @!p0 [sflag:s0], $0x1000  }
0x60: {  	[sflag:s0] =	ssyncset.done @!p0 $0x0  }
0x61: {  	s6 =	rddreg [dreg:$0xe];
	[sflag:s0] =	ssyncadd.s32 @!p0 $0xFFFFF000  }
0x62: {  	v5 =	vld [tilespmem:s6+$0x2000];
	_ =	sdelay $0x4  }
0x63: {  	v6 =	vshll.u32 v5, $0x2  }
0x64: {  	v5 =	vand.u32 $0x7, v5;
	v6 =	vand.u32 $0xFFFFFFE0, v6  }
0x65: {  	v5 =	vor.u32 v5, v6  }
0x66: {  	v6 =	vperm.xlane v5, v2;
	_ =	sdelay $0x1  }
0x67: {  	v6 =	vadd.s32 v3, v6;
	_ =	sdelay $0x1  }
0x68: {  	v5 =	vperm.xlane v5, v4;
	_ =	sdelay $0x1  }
0x69: {  	s22 =	simm.s32 $0x4000;
	v5 =	vadd.s32 v3, v5  }
0x6a: {  	[tilespmem:s22], [sflag:$0x1] =	stream.indirect_vreg.gather [hbm4b:s3+s2], $0x80, v6, vm0, $0xb8;
	[tilespmem:$0x18000] =	vst v63  }
0x6b: {  	s1 =	simm.s32 $0x4800  }
0x6c: {  	[tilespmem:s1], [sflag:$0x1] =	stream.indirect_vreg.gather [hbm4b:s7+s2], $0x80, v6, vm0, $0xb8;
	[tilespmem:$0x18000] =	vst v63  }
0x6d: {  	s31 =	simm.s32 $0x5000  }
0x6e: {  	[tilespmem:s31], [sflag:$0x1] =	stream.indirect_vreg.gather [hbm4b:s3+s2], $0x80, v5, vm0, $0xb8;
	[tilespmem:$0x18000] =	vst v63  }
0x6f: {  	s23 =	simm.s32 $0x5800  }
0x70: {  	[tilespmem:s23], [sflag:$0x1] =	stream.indirect_vreg.gather [hbm4b:s7+s2], $0x80, v5, vm0, $0xb8;
	[tilespmem:$0x18000] =	vst v63  }
0x71: {  	v5 =	vld [tilespmem:s6+$0x2010];
	_ =	sdelay $0x4  }
0x72: {  	v6 =	vshll.u32 v5, $0x2  }
0x73: {  	v5 =	vand.u32 $0x7, v5;
	v6 =	vand.u32 $0xFFFFFFE0, v6  }
0x74: {  	v5 =	vor.u32 v5, v6  }
0x75: {  	v6 =	vperm.xlane v5, v2;
	_ =	sdelay $0x1  }
0x76: {  	v6 =	vadd.s32 v3, v6;
	_ =	sdelay $0x1  }
0x77: {  	v5 =	vperm.xlane v5, v4;
	_ =	sdelay $0x1  }
0x78: {  	s20 =	simm.s32 $0x6000;
	v5 =	vadd.s32 v3, v5  }
0x79: {  	[tilespmem:s20], [sflag:$0x1] =	stream.indirect_vreg.gather [hbm4b:s3+s2], $0x80, v6, vm0, $0xb8;
	[tilespmem:$0x18000] =	vst v63  }
0x7a: {  	s4 =	simm.s32 $0x6800  }
0x7b: {  	[tilespmem:s4], [sflag:$0x1] =	stream.indirect_vreg.gather [hbm4b:s7+s2], $0x80, v6, vm0, $0xb8;
	[tilespmem:$0x18000] =	vst v63  }
0x7c: {  	s5 =	simm.s32 $0x7000  }
0x7d: {  	[tilespmem:s5], [sflag:$0x1] =	stream.indirect_vreg.gather [hbm4b:s3+s2], $0x80, v5, vm0, $0xb8;
	[tilespmem:$0x18000] =	vst v63  }
0x7e: {  	s9 =	simm.s32 $0x7800  }
0x7f: {  	[tilespmem:s9], [sflag:$0x1] =	stream.indirect_vreg.gather [hbm4b:s7+s2], $0x80, v5, vm0, $0xb8;
	[tilespmem:$0x18000] =	vst v63  }
0x80: {  	v5 =	vld [tilespmem:s6+$0x2020];
	_ =	sdelay $0x4  }
0x81: {  	v6 =	vshll.u32 v5, $0x2  }
0x82: {  	v5 =	vand.u32 $0x7, v5;
	v6 =	vand.u32 $0xFFFFFFE0, v6  }
0x83: {  	v5 =	vor.u32 v5, v6  }
0x84: {  	v6 =	vperm.xlane v5, v2;
	_ =	sdelay $0x1  }
0x85: {  	v6 =	vadd.s32 v3, v6;
	_ =	sdelay $0x1  }
0x86: {  	v5 =	vperm.xlane v5, v4;
	_ =	sdelay $0x1  }
0x87: {  	s11 =	simm.s32 $0x8000;
	v5 =	vadd.s32 v3, v5  }
0x88: {  	[tilespmem:s11], [sflag:$0x1] =	stream.indirect_vreg.gather [hbm4b:s3+s2], $0x80, v6, vm0, $0xb8;
	[tilespmem:$0x18000] =	vst v63  }
0x89: {  	s13 =	simm.s32 $0x8800  }
0x8a: {  	[tilespmem:s13], [sflag:$0x1] =	stream.indirect_vreg.gather [hbm4b:s7+s2], $0x80, v6, vm0, $0xb8;
	[tilespmem:$0x18000] =	vst v63  }
0x8b: {  	s15 =	simm.s32 $0x9000  }
0x8c: {  	[tilespmem:s15], [sflag:$0x1] =	stream.indirect_vreg.gather [hbm4b:s3+s2], $0x80, v5, vm0, $0xb8;
	[tilespmem:$0x18000] =	vst v63  }
0x8d: {  	s17 =	simm.s32 $0x9800  }
0x8e: {  	[tilespmem:s17], [sflag:$0x1] =	stream.indirect_vreg.gather [hbm4b:s7+s2], $0x80, v5, vm0, $0xb8;
	[tilespmem:$0x18000] =	vst v63  }
0x8f: {  	v5 =	vld [tilespmem:s6+$0x2030];
	_ =	sdelay $0x4  }
0x90: {  	v6 =	vshll.u32 v5, $0x2  }
0x91: {  	v5 =	vand.u32 $0x7, v5;
	v6 =	vand.u32 $0xFFFFFFE0, v6  }
0x92: {  	v5 =	vor.u32 v5, v6  }
0x93: {  	v6 =	vperm.xlane v5, v2;
	_ =	sdelay $0x1  }
0x94: {  	v6 =	vadd.s32 v3, v6;
	_ =	sdelay $0x1  }
0x95: {  	v5 =	vperm.xlane v5, v4;
	_ =	sdelay $0x1  }
0x96: {  	s21 =	simm.s32 $0xA000;
	v5 =	vadd.s32 v3, v5  }
0x97: {  	[tilespmem:s21], [sflag:$0x1] =	stream.indirect_vreg.gather [hbm4b:s3+s2], $0x80, v6, vm0, $0xb8;
	[tilespmem:$0x18000] =	vst v63  }
0x98: {  	s19 =	simm.s32 $0xA800  }
0x99: {  	[tilespmem:s19], [sflag:$0x1] =	stream.indirect_vreg.gather [hbm4b:s7+s2], $0x80, v6, vm0, $0xb8;
	[tilespmem:$0x18000] =	vst v63  }
0x9a: {  	s18 =	simm.s32 $0xB000  }
0x9b: {  	[tilespmem:s18], [sflag:$0x1] =	stream.indirect_vreg.gather [hbm4b:s3+s2], $0x80, v5, vm0, $0xb8;
	[tilespmem:$0x18000] =	vst v63  }
0x9c: {  	s25 =	simm.s32 $0xB800  }
0x9d: {  	[tilespmem:s25], [sflag:$0x1] =	stream.indirect_vreg.gather [hbm4b:s7+s2], $0x80, v5, vm0, $0xb8;
	[tilespmem:$0x18000] =	vst v63  }
0x9e: {  	v5 =	vld [tilespmem:s6+$0x2040];
	_ =	sdelay $0x4  }
0x9f: {  	v6 =	vshll.u32 v5, $0x2  }
0xa0: {  	v5 =	vand.u32 $0x7, v5;
	v6 =	vand.u32 $0xFFFFFFE0, v6  }
0xa1: {  	v5 =	vor.u32 v5, v6  }
0xa2: {  	v6 =	vperm.xlane v5, v2;
	_ =	sdelay $0x1  }
0xa3: {  	v6 =	vadd.s32 v3, v6;
	_ =	sdelay $0x1  }
0xa4: {  	v5 =	vperm.xlane v5, v4;
	_ =	sdelay $0x1  }
0xa5: {  	s6 =	simm.s32 $0xC000;
	v5 =	vadd.s32 v3, v5  }
0xa6: {  	[tilespmem:s6], [sflag:$0x1] =	stream.indirect_vreg.gather [hbm4b:s3+s2], $0x80, v6, vm0, $0xb8;
	[tilespmem:$0x18000] =	vst v63  }
0xa7: {  	s0 =	simm.s32 $0xC800  }
0xa8: {  	[tilespmem:s0], [sflag:$0x1] =	stream.indirect_vreg.gather [hbm4b:s7+s2], $0x80, v6, vm0, $0xb8;
	[tilespmem:$0x18000] =	vst v63  }
0xa9: {  	s0 =	simm.s32 $0xD000  }
0xaa: {  	[tilespmem:s0], [sflag:$0x1] =	stream.indirect_vreg.gather [hbm4b:s3+s2], $0x80, v5, vm0, $0xb8;
	[tilespmem:$0x18000] =	vst v63  }
0xab: {  	s0 =	simm.s32 $0xD800  }
0xac: {  	[tilespmem:s0], [sflag:$0x1] =	stream.indirect_vreg.gather [hbm4b:s7+s2], $0x80, v5, vm0, $0xb8;
	[tilespmem:$0x18000] =	vst v63  }
0xad: {  	v5 =	vld [tilespmem:s8+$0x2000];
	_ =	sdelay $0x4  }
0xae: {  	v6 =	vshll.u32 v5, $0x2  }
0xaf: {  	v5 =	vand.u32 $0x7, v5;
	v6 =	vand.u32 $0xFFFFFFE0, v6  }
0xb0: {  	v5 =	vor.u32 v5, v6  }
0xb1: {  	v6 =	vperm.xlane v5, v2;
	_ =	sdelay $0x1  }
0xb2: {  	v6 =	vadd.s32 v3, v6;
	_ =	sdelay $0x1  }
0xb3: {  	v5 =	vperm.xlane v5, v4;
	_ =	sdelay $0x1  }
0xb4: {  	s29 =	simm.s32 $0xE000;
	v5 =	vadd.s32 v3, v5  }
0xb5: {  	[tilespmem:s29], [sflag:$0x2] =	stream.indirect_vreg.gather [hbm4b:s3+s2], $0x80, v6, vm0, $0xb8;
	[tilespmem:$0x18000] =	vst v63  }
0xb6: {  	s0 =	simm.s32 $0xE800  }
0xb7: {  	[tilespmem:s0], [sflag:$0x2] =	stream.indirect_vreg.gather [hbm4b:s7+s2], $0x80, v6, vm0, $0xb8;
	[tilespmem:$0x18000] =	vst v63  }
0xb8: {  	s0 =	simm.s32 $0xF000  }
0xb9: {  	[tilespmem:s0], [sflag:$0x2] =	stream.indirect_vreg.gather [hbm4b:s3+s2], $0x80, v5, vm0, $0xb8;
	[tilespmem:$0x18000] =	vst v63  }
0xba: {  	s0 =	simm.s32 $0xF800  }
0xbb: {  	[tilespmem:s0], [sflag:$0x2] =	stream.indirect_vreg.gather [hbm4b:s7+s2], $0x80, v5, vm0, $0xb8;
	[tilespmem:$0x18000] =	vst v63  }
0xbc: {  	v5 =	vld [tilespmem:s8+$0x2010];
	_ =	sdelay $0x4  }
0xbd: {  	v6 =	vshll.u32 v5, $0x2  }
0xbe: {  	v5 =	vand.u32 $0x7, v5;
	v6 =	vand.u32 $0xFFFFFFE0, v6  }
0xbf: {  	v5 =	vor.u32 v5, v6  }
0xc0: {  	v6 =	vperm.xlane v5, v2;
	_ =	sdelay $0x1  }
0xc1: {  	v6 =	vadd.s32 v3, v6;
	_ =	sdelay $0x1  }
0xc2: {  	v5 =	vperm.xlane v5, v4;
	_ =	sdelay $0x1  }
0xc3: {  	s0 =	simm.s32 $0x10000;
	v5 =	vadd.s32 v3, v5  }
0xc4: {  	[tilespmem:s0], [sflag:$0x2] =	stream.indirect_vreg.gather [hbm4b:s3+s2], $0x80, v6, vm0, $0xb8;
	[tilespmem:$0x18000] =	vst v63  }
0xc5: {  	s0 =	simm.s32 $0x10800  }
0xc6: {  	[tilespmem:s0], [sflag:$0x2] =	stream.indirect_vreg.gather [hbm4b:s7+s2], $0x80, v6, vm0, $0xb8;
	[tilespmem:$0x18000] =	vst v63  }
0xc7: {  	s0 =	simm.s32 $0x11000  }
0xc8: {  	[tilespmem:s0], [sflag:$0x2] =	stream.indirect_vreg.gather [hbm4b:s3+s2], $0x80, v5, vm0, $0xb8;
	[tilespmem:$0x18000] =	vst v63  }
0xc9: {  	s0 =	simm.s32 $0x11800  }
0xca: {  	[tilespmem:s0], [sflag:$0x2] =	stream.indirect_vreg.gather [hbm4b:s7+s2], $0x80, v5, vm0, $0xb8;
	[tilespmem:$0x18000] =	vst v63  }
0xcb: {  	v5 =	vld [tilespmem:s8+$0x2020];
	_ =	sdelay $0x4  }
0xcc: {  	v6 =	vshll.u32 v5, $0x2  }
0xcd: {  	v5 =	vand.u32 $0x7, v5;
	v6 =	vand.u32 $0xFFFFFFE0, v6  }
0xce: {  	v5 =	vor.u32 v5, v6  }
0xcf: {  	v6 =	vperm.xlane v5, v2;
	_ =	sdelay $0x1  }
0xd0: {  	v6 =	vadd.s32 v3, v6;
	_ =	sdelay $0x1  }
0xd1: {  	v5 =	vperm.xlane v5, v4;
	_ =	sdelay $0x1  }
0xd2: {  	s0 =	simm.s32 $0x12000;
	v5 =	vadd.s32 v3, v5  }
0xd3: {  	[tilespmem:s0], [sflag:$0x2] =	stream.indirect_vreg.gather [hbm4b:s3+s2], $0x80, v6, vm0, $0xb8;
	[tilespmem:$0x18000] =	vst v63  }
0xd4: {  	s0 =	simm.s32 $0x12800  }
0xd5: {  	[tilespmem:s0], [sflag:$0x2] =	stream.indirect_vreg.gather [hbm4b:s7+s2], $0x80, v6, vm0, $0xb8;
	[tilespmem:$0x18000] =	vst v63  }
0xd6: {  	s0 =	simm.s32 $0x13000  }
0xd7: {  	[tilespmem:s0], [sflag:$0x2] =	stream.indirect_vreg.gather [hbm4b:s3+s2], $0x80, v5, vm0, $0xb8;
	[tilespmem:$0x18000] =	vst v63  }
0xd8: {  	s0 =	simm.s32 $0x13800  }
0xd9: {  	[tilespmem:s0], [sflag:$0x2] =	stream.indirect_vreg.gather [hbm4b:s7+s2], $0x80, v5, vm0, $0xb8;
	[tilespmem:$0x18000] =	vst v63  }
0xda: {  	v5 =	vld [tilespmem:s8+$0x2030];
	_ =	sdelay $0x4  }
0xdb: {  	v6 =	vshll.u32 v5, $0x2  }
0xdc: {  	v5 =	vand.u32 $0x7, v5;
	v6 =	vand.u32 $0xFFFFFFE0, v6  }
0xdd: {  	v5 =	vor.u32 v5, v6  }
0xde: {  	v6 =	vperm.xlane v5, v2;
	_ =	sdelay $0x1  }
0xdf: {  	v6 =	vadd.s32 v3, v6;
	_ =	sdelay $0x1  }
0xe0: {  	v5 =	vperm.xlane v5, v4;
	_ =	sdelay $0x1  }
0xe1: {  	s0 =	simm.s32 $0x14000;
	v5 =	vadd.s32 v3, v5  }
0xe2: {  	[tilespmem:s0], [sflag:$0x2] =	stream.indirect_vreg.gather [hbm4b:s3+s2], $0x80, v6, vm0, $0xb8;
	[tilespmem:$0x18000] =	vst v63  }
0xe3: {  	s0 =	simm.s32 $0x14800  }
0xe4: {  	[tilespmem:s0], [sflag:$0x2] =	stream.indirect_vreg.gather [hbm4b:s7+s2], $0x80, v6, vm0, $0xb8;
	[tilespmem:$0x18000] =	vst v63  }
0xe5: {  	s0 =	simm.s32 $0x15000  }
0xe6: {  	[tilespmem:s0], [sflag:$0x2] =	stream.indirect_vreg.gather [hbm4b:s3+s2], $0x80, v5, vm0, $0xb8;
	[tilespmem:$0x18000] =	vst v63  }
0xe7: {  	s0 =	simm.s32 $0x15800  }
0xe8: {  	[tilespmem:s0], [sflag:$0x2] =	stream.indirect_vreg.gather [hbm4b:s7+s2], $0x80, v5, vm0, $0xb8;
	[tilespmem:$0x18000] =	vst v63  }
0xe9: {  	v5 =	vld [tilespmem:s8+$0x2040];
	_ =	sdelay $0x4  }
0xea: {  	v6 =	vshll.u32 v5, $0x2  }
0xeb: {  	v5 =	vand.u32 $0x7, v5;
	v6 =	vand.u32 $0xFFFFFFE0, v6  }
0xec: {  	v5 =	vor.u32 v5, v6  }
0xed: {  	v6 =	vperm.xlane v5, v2;
	_ =	sdelay $0x1  }
0xee: {  	v6 =	vadd.s32 v3, v6;
	_ =	sdelay $0x1  }
0xef: {  	v5 =	vperm.xlane v5, v4;
	_ =	sdelay $0x1  }
0xf0: {  	s0 =	simm.s32 $0x16000;
	v5 =	vadd.s32 v3, v5  }
0xf1: {  	[tilespmem:s0], [sflag:$0x2] =	stream.indirect_vreg.gather [hbm4b:s3+s2], $0x80, v6, vm0, $0xb8;
	[tilespmem:$0x18000] =	vst v63  }
0xf2: {  	s0 =	simm.s32 $0x16800  }
0xf3: {  	[tilespmem:s0], [sflag:$0x2] =	stream.indirect_vreg.gather [hbm4b:s7+s2], $0x80, v6, vm0, $0xb8;
	[tilespmem:$0x18000] =	vst v63  }
0xf4: {  	s0 =	simm.s32 $0x17000  }
0xf5: {  	[tilespmem:s0], [sflag:$0x2] =	stream.indirect_vreg.gather [hbm4b:s3+s2], $0x80, v5, vm0, $0xb8;
	[tilespmem:$0x18000] =	vst v63  }
0xf6: {  	s0 =	simm.s32 $0x17800  }
0xf7: {  	[tilespmem:s0], [sflag:$0x2] =	stream.indirect_vreg.gather [hbm4b:s7+s2], $0x80, v5, vm0, $0xb8;
	[tilespmem:$0x18000] =	vst v63  }
0xf8: {  	_ =	swait.ge [sflag:s26], $0xA000  }
0xf9: {  	[sflag:s26] =	ssyncset.done $0x0  }
0xfa: {  	s0 =	rddreg [dreg:$0x5];
	[sflag:s26] =	ssyncadd.s32 $0xFFFF6000  }
0xfb: {  	[hbm4b:s0+s2] =	stream.linear.scatter [tilespmem:s22], [sflag:$0x3], $0xA000, $0x38;
	[tilespmem:$0x18000] =	vst v63  }
0xfc: {  	_ =	swait.ge [sflag:s24], $0xA000  }
0xfd: {  	[sflag:s24] =	ssyncset.done $0x0  }
0xfe: {  	[sflag:s24] =	ssyncadd.s32 $0xFFFF6000  }
0xff: {  	v5 =	vld [tilespmem:s10+$0x2000];
	_ =	sdelay $0x4  }
0x100: {  	v6 =	vshll.u32 v5, $0x2  }
0x101: {  	v5 =	vand.u32 $0x7, v5;
	v6 =	vand.u32 $0xFFFFFFE0, v6  }
0x102: {  	v5 =	vor.u32 v5, v6  }
0x103: {  	v6 =	vperm.xlane v5, v2;
	_ =	sdelay $0x1  }
0x104: {  	v6 =	vadd.s32 v3, v6;
	_ =	sdelay $0x1  }
0x105: {  	v5 =	vperm.xlane v5, v4;
	_ =	sdelay $0x1  }
0x106: {  	v5 =	vadd.s32 v3, v5  }
0x107: {  	[tilespmem:s22], [sflag:$0x1] =	stream.indirect_vreg.gather [hbm4b:s3+s2], $0x80, v6, vm0, $0xb8;
	[tilespmem:$0x18000] =	vst v63  }
0x108: {  	_ = 	snop  }
0x109: {  	[tilespmem:s1], [sflag:$0x1] =	stream.indirect_vreg.gather [hbm4b:s7+s2], $0x80, v6, vm0, $0xb8;
	[tilespmem:$0x18000] =	vst v63  }
0x10a: {  	_ = 	snop  }
0x10b: {  	[tilespmem:s31], [sflag:$0x1] =	stream.indirect_vreg.gather [hbm4b:s3+s2], $0x80, v5, vm0, $0xb8;
	[tilespmem:$0x18000] =	vst v63  }
0x10c: {  	_ = 	snop  }
0x10d: {  	[tilespmem:s23], [sflag:$0x1] =	stream.indirect_vreg.gather [hbm4b:s7+s2], $0x80, v5, vm0, $0xb8;
	[tilespmem:$0x18000] =	vst v63  }
0x10e: {  	v5 =	vld [tilespmem:s10+$0x2010];
	_ =	sdelay $0x4  }
0x10f: {  	v6 =	vshll.u32 v5, $0x2  }
0x110: {  	v5 =	vand.u32 $0x7, v5;
	v6 =	vand.u32 $0xFFFFFFE0, v6  }
0x111: {  	v5 =	vor.u32 v5, v6  }
0x112: {  	v6 =	vperm.xlane v5, v2;
	_ =	sdelay $0x1  }
0x113: {  	v6 =	vadd.s32 v3, v6;
	_ =	sdelay $0x1  }
0x114: {  	v5 =	vperm.xlane v5, v4;
	_ =	sdelay $0x1  }
0x115: {  	v5 =	vadd.s32 v3, v5  }
0x116: {  	[tilespmem:s20], [sflag:$0x1] =	stream.indirect_vreg.gather [hbm4b:s3+s2], $0x80, v6, vm0, $0xb8;
	[tilespmem:$0x18000] =	vst v63  }
0x117: {  	_ = 	snop  }
0x118: {  	[tilespmem:s4], [sflag:$0x1] =	stream.indirect_vreg.gather [hbm4b:s7+s2], $0x80, v6, vm0, $0xb8;
	[tilespmem:$0x18000] =	vst v63  }
0x119: {  	_ = 	snop  }
0x11a: {  	[tilespmem:s5], [sflag:$0x1] =	stream.indirect_vreg.gather [hbm4b:s3+s2], $0x80, v5, vm0, $0xb8;
	[tilespmem:$0x18000] =	vst v63  }
0x11b: {  	_ = 	snop  }
0x11c: {  	[tilespmem:s9], [sflag:$0x1] =	stream.indirect_vreg.gather [hbm4b:s7+s2], $0x80, v5, vm0, $0xb8;
	[tilespmem:$0x18000] =	vst v63  }
0x11d: {  	v5 =	vld [tilespmem:s10+$0x2020];
	_ =	sdelay $0x4  }
0x11e: {  	v6 =	vshll.u32 v5, $0x2  }
0x11f: {  	v5 =	vand.u32 $0x7, v5;
	v6 =	vand.u32 $0xFFFFFFE0, v6  }
0x120: {  	v5 =	vor.u32 v5, v6  }
0x121: {  	v6 =	vperm.xlane v5, v2;
	_ =	sdelay $0x1  }
0x122: {  	v6 =	vadd.s32 v3, v6;
	_ =	sdelay $0x1  }
0x123: {  	v5 =	vperm.xlane v5, v4;
	_ =	sdelay $0x1  }
0x124: {  	v5 =	vadd.s32 v3, v5  }
0x125: {  	[tilespmem:s11], [sflag:$0x1] =	stream.indirect_vreg.gather [hbm4b:s3+s2], $0x80, v6, vm0, $0xb8;
	[tilespmem:$0x18000] =	vst v63  }
0x126: {  	_ = 	snop  }
0x127: {  	[tilespmem:s13], [sflag:$0x1] =	stream.indirect_vreg.gather [hbm4b:s7+s2], $0x80, v6, vm0, $0xb8;
	[tilespmem:$0x18000] =	vst v63  }
0x128: {  	_ = 	snop  }
0x129: {  	[tilespmem:s15], [sflag:$0x1] =	stream.indirect_vreg.gather [hbm4b:s3+s2], $0x80, v5, vm0, $0xb8;
	[tilespmem:$0x18000] =	vst v63  }
0x12a: {  	_ = 	snop  }
0x12b: {  	[tilespmem:s17], [sflag:$0x1] =	stream.indirect_vreg.gather [hbm4b:s7+s2], $0x80, v5, vm0, $0xb8;
	[tilespmem:$0x18000] =	vst v63  }
0x12c: {  	v5 =	vld [tilespmem:s10+$0x2030];
	_ =	sdelay $0x4  }
0x12d: {  	v6 =	vshll.u32 v5, $0x2  }
0x12e: {  	v5 =	vand.u32 $0x7, v5;
	v6 =	vand.u32 $0xFFFFFFE0, v6  }
0x12f: {  	v5 =	vor.u32 v5, v6  }
0x130: {  	v6 =	vperm.xlane v5, v2;
	_ =	sdelay $0x1  }
0x131: {  	v6 =	vadd.s32 v3, v6;
	_ =	sdelay $0x1  }
0x132: {  	v5 =	vperm.xlane v5, v4;
	_ =	sdelay $0x1  }
0x133: {  	v5 =	vadd.s32 v3, v5  }
0x134: {  	[tilespmem:s21], [sflag:$0x1] =	stream.indirect_vreg.gather [hbm4b:s3+s2], $0x80, v6, vm0, $0xb8;
	[tilespmem:$0x18000] =	vst v63  }
0x135: {  	_ = 	snop  }
0x136: {  	[tilespmem:s19], [sflag:$0x1] =	stream.indirect_vreg.gather [hbm4b:s7+s2], $0x80, v6, vm0, $0xb8;
	[tilespmem:$0x18000] =	vst v63  }
0x137: {  	_ = 	snop  }
0x138: {  	[tilespmem:s18], [sflag:$0x1] =	stream.indirect_vreg.gather [hbm4b:s3+s2], $0x80, v5, vm0, $0xb8;
	[tilespmem:$0x18000] =	vst v63  }
0x139: {  	_ = 	snop  }
0x13a: {  	[tilespmem:s25], [sflag:$0x1] =	stream.indirect_vreg.gather [hbm4b:s7+s2], $0x80, v5, vm0, $0xb8;
	[tilespmem:$0x18000] =	vst v63  }
0x13b: {  	v5 =	vld [tilespmem:s10+$0x2040];
	_ =	sdelay $0x4  }
0x13c: {  	v6 =	vshll.u32 v5, $0x2  }
0x13d: {  	v5 =	vand.u32 $0x7, v5;
	v6 =	vand.u32 $0xFFFFFFE0, v6  }
0x13e: {  	v5 =	vor.u32 v5, v6  }
0x13f: {  	v6 =	vperm.xlane v5, v2;
	_ =	sdelay $0x1  }
0x140: {  	v6 =	vadd.s32 v3, v6;
	_ =	sdelay $0x1  }
0x141: {  	v5 =	vperm.xlane v5, v4;
	_ =	sdelay $0x1  }
0x142: {  	v5 =	vadd.s32 v3, v5  }
0x143: {  	[tilespmem:s6], [sflag:$0x1] =	stream.indirect_vreg.gather [hbm4b:s3+s2], $0x80, v6, vm0, $0xb8;
	[tilespmem:$0x18000] =	vst v63  }
0x144: {  	s0 =	simm.s32 $0xC800  }
0x145: {  	[tilespmem:s0], [sflag:$0x1] =	stream.indirect_vreg.gather [hbm4b:s7+s2], $0x80, v6, vm0, $0xb8;
	[tilespmem:$0x18000] =	vst v63  }
0x146: {  	s0 =	simm.s32 $0xD000  }
0x147: {  	[tilespmem:s0], [sflag:$0x1] =	stream.indirect_vreg.gather [hbm4b:s3+s2], $0x80, v5, vm0, $0xb8;
	[tilespmem:$0x18000] =	vst v63  }
0x148: {  	s30 =	simm.s32 $0xD800  }
0x149: {  	[tilespmem:s30], [sflag:$0x1] =	stream.indirect_vreg.gather [hbm4b:s7+s2], $0x80, v5, vm0, $0xb8;
	[tilespmem:$0x18000] =	vst v63  }
0x14a: {  	s30 =	simm.s32 $0x2  }
0x14b: {  	_ =	swait.ge [sflag:s30], $0xA000  }
0x14c: {  	[sflag:s30] =	ssyncset.done $0x0  }
0x14d: {  	s0 =	rddreg [dreg:$0x6];
	[sflag:s30] =	ssyncadd.s32 $0xFFFF6000  }
0x14e: {  	[hbm4b:s0+s2] =	stream.linear.scatter [tilespmem:s29], [sflag:$0x3], $0xA000, $0x38;
	[tilespmem:$0x18000] =	vst v63  }
0x14f: {  	_ =	swait.ge [sflag:s24], $0xA000  }
0x150: {  	[sflag:s24] =	ssyncset.done $0x0  }
0x151: {  	[sflag:s24] =	ssyncadd.s32 $0xFFFF6000  }
0x152: {  	v5 =	vld [tilespmem:s12+$0x2000];
	_ =	sdelay $0x4  }
0x153: {  	v6 =	vshll.u32 v5, $0x2  }
0x154: {  	v5 =	vand.u32 $0x7, v5;
	v6 =	vand.u32 $0xFFFFFFE0, v6  }
0x155: {  	v5 =	vor.u32 v5, v6  }
0x156: {  	v6 =	vperm.xlane v5, v2;
	_ =	sdelay $0x1  }
0x157: {  	v6 =	vadd.s32 v3, v6;
	_ =	sdelay $0x1  }
0x158: {  	v5 =	vperm.xlane v5, v4;
	_ =	sdelay $0x1  }
0x159: {  	v5 =	vadd.s32 v3, v5  }
0x15a: {  	[tilespmem:s29], [sflag:$0x2] =	stream.indirect_vreg.gather [hbm4b:s3+s2], $0x80, v6, vm0, $0xb8;
	[tilespmem:$0x18000] =	vst v63  }
0x15b: {  	s0 =	simm.s32 $0xE800  }
0x15c: {  	[tilespmem:s0], [sflag:$0x2] =	stream.indirect_vreg.gather [hbm4b:s7+s2], $0x80, v6, vm0, $0xb8;
	[tilespmem:$0x18000] =	vst v63  }
0x15d: {  	s0 =	simm.s32 $0xF000  }
0x15e: {  	[tilespmem:s0], [sflag:$0x2] =	stream.indirect_vreg.gather [hbm4b:s3+s2], $0x80, v5, vm0, $0xb8;
	[tilespmem:$0x18000] =	vst v63  }
0x15f: {  	s0 =	simm.s32 $0xF800  }
0x160: {  	[tilespmem:s0], [sflag:$0x2] =	stream.indirect_vreg.gather [hbm4b:s7+s2], $0x80, v5, vm0, $0xb8;
	[tilespmem:$0x18000] =	vst v63  }
0x161: {  	v5 =	vld [tilespmem:s12+$0x2010];
	_ =	sdelay $0x4  }
0x162: {  	v6 =	vshll.u32 v5, $0x2  }
0x163: {  	v5 =	vand.u32 $0x7, v5;
	v6 =	vand.u32 $0xFFFFFFE0, v6  }
0x164: {  	v5 =	vor.u32 v5, v6  }
0x165: {  	v6 =	vperm.xlane v5, v2;
	_ =	sdelay $0x1  }
0x166: {  	v6 =	vadd.s32 v3, v6;
	_ =	sdelay $0x1  }
0x167: {  	v5 =	vperm.xlane v5, v4;
	_ =	sdelay $0x1  }
0x168: {  	s0 =	simm.s32 $0x10000;
	v5 =	vadd.s32 v3, v5  }
0x169: {  	[tilespmem:s0], [sflag:$0x2] =	stream.indirect_vreg.gather [hbm4b:s3+s2], $0x80, v6, vm0, $0xb8;
	[tilespmem:$0x18000] =	vst v63  }
0x16a: {  	s0 =	simm.s32 $0x10800  }
0x16b: {  	[tilespmem:s0], [sflag:$0x2] =	stream.indirect_vreg.gather [hbm4b:s7+s2], $0x80, v6, vm0, $0xb8;
	[tilespmem:$0x18000] =	vst v63  }
0x16c: {  	s0 =	simm.s32 $0x11000  }
0x16d: {  	[tilespmem:s0], [sflag:$0x2] =	stream.indirect_vreg.gather [hbm4b:s3+s2], $0x80, v5, vm0, $0xb8;
	[tilespmem:$0x18000] =	vst v63  }
0x16e: {  	s0 =	simm.s32 $0x11800  }
0x16f: {  	[tilespmem:s0], [sflag:$0x2] =	stream.indirect_vreg.gather [hbm4b:s7+s2], $0x80, v5, vm0, $0xb8;
	[tilespmem:$0x18000] =	vst v63  }
0x170: {  	v5 =	vld [tilespmem:s12+$0x2020];
	_ =	sdelay $0x4  }
0x171: {  	v6 =	vshll.u32 v5, $0x2  }
0x172: {  	v5 =	vand.u32 $0x7, v5;
	v6 =	vand.u32 $0xFFFFFFE0, v6  }
0x173: {  	v5 =	vor.u32 v5, v6  }
0x174: {  	v6 =	vperm.xlane v5, v2;
	_ =	sdelay $0x1  }
0x175: {  	v6 =	vadd.s32 v3, v6;
	_ =	sdelay $0x1  }
0x176: {  	v5 =	vperm.xlane v5, v4;
	_ =	sdelay $0x1  }
0x177: {  	s0 =	simm.s32 $0x12000;
	v5 =	vadd.s32 v3, v5  }
0x178: {  	[tilespmem:s0], [sflag:$0x2] =	stream.indirect_vreg.gather [hbm4b:s3+s2], $0x80, v6, vm0, $0xb8;
	[tilespmem:$0x18000] =	vst v63  }
0x179: {  	s0 =	simm.s32 $0x12800  }
0x17a: {  	[tilespmem:s0], [sflag:$0x2] =	stream.indirect_vreg.gather [hbm4b:s7+s2], $0x80, v6, vm0, $0xb8;
	[tilespmem:$0x18000] =	vst v63  }
0x17b: {  	s0 =	simm.s32 $0x13000  }
0x17c: {  	[tilespmem:s0], [sflag:$0x2] =	stream.indirect_vreg.gather [hbm4b:s3+s2], $0x80, v5, vm0, $0xb8;
	[tilespmem:$0x18000] =	vst v63  }
0x17d: {  	s0 =	simm.s32 $0x13800  }
0x17e: {  	[tilespmem:s0], [sflag:$0x2] =	stream.indirect_vreg.gather [hbm4b:s7+s2], $0x80, v5, vm0, $0xb8;
	[tilespmem:$0x18000] =	vst v63  }
0x17f: {  	v5 =	vld [tilespmem:s12+$0x2030];
	_ =	sdelay $0x4  }
0x180: {  	v6 =	vshll.u32 v5, $0x2  }
0x181: {  	v5 =	vand.u32 $0x7, v5;
	v6 =	vand.u32 $0xFFFFFFE0, v6  }
0x182: {  	v5 =	vor.u32 v5, v6  }
0x183: {  	v6 =	vperm.xlane v5, v2;
	_ =	sdelay $0x1  }
0x184: {  	v6 =	vadd.s32 v3, v6;
	_ =	sdelay $0x1  }
0x185: {  	v5 =	vperm.xlane v5, v4;
	_ =	sdelay $0x1  }
0x186: {  	s0 =	simm.s32 $0x14000;
	v5 =	vadd.s32 v3, v5  }
0x187: {  	[tilespmem:s0], [sflag:$0x2] =	stream.indirect_vreg.gather [hbm4b:s3+s2], $0x80, v6, vm0, $0xb8;
	[tilespmem:$0x18000] =	vst v63  }
0x188: {  	s0 =	simm.s32 $0x14800  }
0x189: {  	[tilespmem:s0], [sflag:$0x2] =	stream.indirect_vreg.gather [hbm4b:s7+s2], $0x80, v6, vm0, $0xb8;
	[tilespmem:$0x18000] =	vst v63  }
0x18a: {  	s0 =	simm.s32 $0x15000  }
0x18b: {  	[tilespmem:s0], [sflag:$0x2] =	stream.indirect_vreg.gather [hbm4b:s3+s2], $0x80, v5, vm0, $0xb8;
	[tilespmem:$0x18000] =	vst v63  }
0x18c: {  	s0 =	simm.s32 $0x15800  }
0x18d: {  	[tilespmem:s0], [sflag:$0x2] =	stream.indirect_vreg.gather [hbm4b:s7+s2], $0x80, v5, vm0, $0xb8;
	[tilespmem:$0x18000] =	vst v63  }
0x18e: {  	v5 =	vld [tilespmem:s12+$0x2040];
	_ =	sdelay $0x4  }
0x18f: {  	v6 =	vshll.u32 v5, $0x2  }
0x190: {  	v5 =	vand.u32 $0x7, v5;
	v6 =	vand.u32 $0xFFFFFFE0, v6  }
0x191: {  	v5 =	vor.u32 v5, v6  }
0x192: {  	v6 =	vperm.xlane v5, v2;
	_ =	sdelay $0x1  }
0x193: {  	v6 =	vadd.s32 v3, v6;
	_ =	sdelay $0x1  }
0x194: {  	v5 =	vperm.xlane v5, v4;
	_ =	sdelay $0x1  }
0x195: {  	s0 =	simm.s32 $0x16000;
	v5 =	vadd.s32 v3, v5  }
0x196: {  	[tilespmem:s0], [sflag:$0x2] =	stream.indirect_vreg.gather [hbm4b:s3+s2], $0x80, v6, vm0, $0xb8;
	[tilespmem:$0x18000] =	vst v63  }
0x197: {  	s0 =	simm.s32 $0x16800  }
0x198: {  	[tilespmem:s0], [sflag:$0x2] =	stream.indirect_vreg.gather [hbm4b:s7+s2], $0x80, v6, vm0, $0xb8;
	[tilespmem:$0x18000] =	vst v63  }
0x199: {  	s0 =	simm.s32 $0x17000  }
0x19a: {  	[tilespmem:s0], [sflag:$0x2] =	stream.indirect_vreg.gather [hbm4b:s3+s2], $0x80, v5, vm0, $0xb8;
	[tilespmem:$0x18000] =	vst v63  }
0x19b: {  	s0 =	simm.s32 $0x17800  }
0x19c: {  	[tilespmem:s0], [sflag:$0x2] =	stream.indirect_vreg.gather [hbm4b:s7+s2], $0x80, v5, vm0, $0xb8;
	[tilespmem:$0x18000] =	vst v63  }
0x19d: {  	_ =	swait.ge [sflag:s26], $0xA000  }
0x19e: {  	[sflag:s26] =	ssyncset.done $0x0  }
0x19f: {  	s0 =	rddreg [dreg:$0x7];
	[sflag:s26] =	ssyncadd.s32 $0xFFFF6000  }
0x1a0: {  	[hbm4b:s0+s2] =	stream.linear.scatter [tilespmem:s22], [sflag:$0x3], $0xA000, $0x38;
	[tilespmem:$0x18000] =	vst v63  }
0x1a1: {  	_ =	swait.ge [sflag:s24], $0xA000  }
0x1a2: {  	[sflag:s24] =	ssyncset.done $0x0  }
0x1a3: {  	[sflag:s24] =	ssyncadd.s32 $0xFFFF6000  }
0x1a4: {  	v5 =	vld [tilespmem:s14+$0x2000];
	_ =	sdelay $0x4  }
0x1a5: {  	v6 =	vshll.u32 v5, $0x2  }
0x1a6: {  	v5 =	vand.u32 $0x7, v5;
	v6 =	vand.u32 $0xFFFFFFE0, v6  }
0x1a7: {  	v5 =	vor.u32 v5, v6  }
0x1a8: {  	v6 =	vperm.xlane v5, v2;
	_ =	sdelay $0x1  }
0x1a9: {  	v6 =	vadd.s32 v3, v6;
	_ =	sdelay $0x1  }
0x1aa: {  	v5 =	vperm.xlane v5, v4;
	_ =	sdelay $0x1  }
0x1ab: {  	v5 =	vadd.s32 v3, v5  }
0x1ac: {  	[tilespmem:s22], [sflag:$0x1] =	stream.indirect_vreg.gather [hbm4b:s3+s2], $0x80, v6, vm0, $0xb8;
	[tilespmem:$0x18000] =	vst v63  }
0x1ad: {  	_ = 	snop  }
0x1ae: {  	[tilespmem:s1], [sflag:$0x1] =	stream.indirect_vreg.gather [hbm4b:s7+s2], $0x80, v6, vm0, $0xb8;
	[tilespmem:$0x18000] =	vst v63  }
0x1af: {  	_ = 	snop  }
0x1b0: {  	[tilespmem:s31], [sflag:$0x1] =	stream.indirect_vreg.gather [hbm4b:s3+s2], $0x80, v5, vm0, $0xb8;
	[tilespmem:$0x18000] =	vst v63  }
0x1b1: {  	_ = 	snop  }
0x1b2: {  	[tilespmem:s23], [sflag:$0x1] =	stream.indirect_vreg.gather [hbm4b:s7+s2], $0x80, v5, vm0, $0xb8;
	[tilespmem:$0x18000] =	vst v63  }
0x1b3: {  	v5 =	vld [tilespmem:s14+$0x2010];
	_ =	sdelay $0x4  }
0x1b4: {  	v6 =	vshll.u32 v5, $0x2  }
0x1b5: {  	v5 =	vand.u32 $0x7, v5;
	v6 =	vand.u32 $0xFFFFFFE0, v6  }
0x1b6: {  	v5 =	vor.u32 v5, v6  }
0x1b7: {  	v6 =	vperm.xlane v5, v2;
	_ =	sdelay $0x1  }
0x1b8: {  	v6 =	vadd.s32 v3, v6;
	_ =	sdelay $0x1  }
0x1b9: {  	v5 =	vperm.xlane v5, v4;
	_ =	sdelay $0x1  }
0x1ba: {  	v5 =	vadd.s32 v3, v5  }
0x1bb: {  	[tilespmem:s20], [sflag:$0x1] =	stream.indirect_vreg.gather [hbm4b:s3+s2], $0x80, v6, vm0, $0xb8;
	[tilespmem:$0x18000] =	vst v63  }
0x1bc: {  	_ = 	snop  }
0x1bd: {  	[tilespmem:s4], [sflag:$0x1] =	stream.indirect_vreg.gather [hbm4b:s7+s2], $0x80, v6, vm0, $0xb8;
	[tilespmem:$0x18000] =	vst v63  }
0x1be: {  	_ = 	snop  }
0x1bf: {  	[tilespmem:s5], [sflag:$0x1] =	stream.indirect_vreg.gather [hbm4b:s3+s2], $0x80, v5, vm0, $0xb8;
	[tilespmem:$0x18000] =	vst v63  }
0x1c0: {  	_ = 	snop  }
0x1c1: {  	[tilespmem:s9], [sflag:$0x1] =	stream.indirect_vreg.gather [hbm4b:s7+s2], $0x80, v5, vm0, $0xb8;
	[tilespmem:$0x18000] =	vst v63  }
0x1c2: {  	v5 =	vld [tilespmem:s14+$0x2020];
	_ =	sdelay $0x4  }
0x1c3: {  	v6 =	vshll.u32 v5, $0x2  }
0x1c4: {  	v5 =	vand.u32 $0x7, v5;
	v6 =	vand.u32 $0xFFFFFFE0, v6  }
0x1c5: {  	v5 =	vor.u32 v5, v6  }
0x1c6: {  	v6 =	vperm.xlane v5, v2;
	_ =	sdelay $0x1  }
0x1c7: {  	v6 =	vadd.s32 v3, v6;
	_ =	sdelay $0x1  }
0x1c8: {  	v5 =	vperm.xlane v5, v4;
	_ =	sdelay $0x1  }
0x1c9: {  	v5 =	vadd.s32 v3, v5  }
0x1ca: {  	[tilespmem:s11], [sflag:$0x1] =	stream.indirect_vreg.gather [hbm4b:s3+s2], $0x80, v6, vm0, $0xb8;
	[tilespmem:$0x18000] =	vst v63  }
0x1cb: {  	_ = 	snop  }
0x1cc: {  	[tilespmem:s13], [sflag:$0x1] =	stream.indirect_vreg.gather [hbm4b:s7+s2], $0x80, v6, vm0, $0xb8;
	[tilespmem:$0x18000] =	vst v63  }
0x1cd: {  	_ = 	snop  }
0x1ce: {  	[tilespmem:s15], [sflag:$0x1] =	stream.indirect_vreg.gather [hbm4b:s3+s2], $0x80, v5, vm0, $0xb8;
	[tilespmem:$0x18000] =	vst v63  }
0x1cf: {  	_ = 	snop  }
0x1d0: {  	[tilespmem:s17], [sflag:$0x1] =	stream.indirect_vreg.gather [hbm4b:s7+s2], $0x80, v5, vm0, $0xb8;
	[tilespmem:$0x18000] =	vst v63  }
0x1d1: {  	v5 =	vld [tilespmem:s14+$0x2030];
	_ =	sdelay $0x4  }
0x1d2: {  	v6 =	vshll.u32 v5, $0x2  }
0x1d3: {  	v5 =	vand.u32 $0x7, v5;
	v6 =	vand.u32 $0xFFFFFFE0, v6  }
0x1d4: {  	v5 =	vor.u32 v5, v6  }
0x1d5: {  	v6 =	vperm.xlane v5, v2;
	_ =	sdelay $0x1  }
0x1d6: {  	v6 =	vadd.s32 v3, v6;
	_ =	sdelay $0x1  }
0x1d7: {  	v5 =	vperm.xlane v5, v4;
	_ =	sdelay $0x1  }
0x1d8: {  	v5 =	vadd.s32 v3, v5  }
0x1d9: {  	[tilespmem:s21], [sflag:$0x1] =	stream.indirect_vreg.gather [hbm4b:s3+s2], $0x80, v6, vm0, $0xb8;
	[tilespmem:$0x18000] =	vst v63  }
0x1da: {  	_ = 	snop  }
0x1db: {  	[tilespmem:s19], [sflag:$0x1] =	stream.indirect_vreg.gather [hbm4b:s7+s2], $0x80, v6, vm0, $0xb8;
	[tilespmem:$0x18000] =	vst v63  }
0x1dc: {  	_ = 	snop  }
0x1dd: {  	[tilespmem:s18], [sflag:$0x1] =	stream.indirect_vreg.gather [hbm4b:s3+s2], $0x80, v5, vm0, $0xb8;
	[tilespmem:$0x18000] =	vst v63  }
0x1de: {  	_ = 	snop  }
0x1df: {  	[tilespmem:s25], [sflag:$0x1] =	stream.indirect_vreg.gather [hbm4b:s7+s2], $0x80, v5, vm0, $0xb8;
	[tilespmem:$0x18000] =	vst v63  }
0x1e0: {  	v5 =	vld [tilespmem:s14+$0x2040];
	_ =	sdelay $0x4  }
0x1e1: {  	v6 =	vshll.u32 v5, $0x2  }
0x1e2: {  	v5 =	vand.u32 $0x7, v5;
	v6 =	vand.u32 $0xFFFFFFE0, v6  }
0x1e3: {  	v5 =	vor.u32 v5, v6  }
0x1e4: {  	v6 =	vperm.xlane v5, v2;
	_ =	sdelay $0x1  }
0x1e5: {  	v6 =	vadd.s32 v3, v6;
	_ =	sdelay $0x1  }
0x1e6: {  	v5 =	vperm.xlane v5, v4;
	_ =	sdelay $0x1  }
0x1e7: {  	v5 =	vadd.s32 v3, v5  }
0x1e8: {  	[tilespmem:s6], [sflag:$0x1] =	stream.indirect_vreg.gather [hbm4b:s3+s2], $0x80, v6, vm0, $0xb8;
	[tilespmem:$0x18000] =	vst v63  }
0x1e9: {  	s0 =	simm.s32 $0xC800  }
0x1ea: {  	[tilespmem:s0], [sflag:$0x1] =	stream.indirect_vreg.gather [hbm4b:s7+s2], $0x80, v6, vm0, $0xb8;
	[tilespmem:$0x18000] =	vst v63  }
0x1eb: {  	s0 =	simm.s32 $0xD000  }
0x1ec: {  	[tilespmem:s0], [sflag:$0x1] =	stream.indirect_vreg.gather [hbm4b:s3+s2], $0x80, v5, vm0, $0xb8;
	[tilespmem:$0x18000] =	vst v63  }
0x1ed: {  	s0 =	simm.s32 $0xD800  }
0x1ee: {  	[tilespmem:s0], [sflag:$0x1] =	stream.indirect_vreg.gather [hbm4b:s7+s2], $0x80, v5, vm0, $0xb8;
	[tilespmem:$0x18000] =	vst v63  }
0x1ef: {  	_ =	swait.ge [sflag:s30], $0xA000  }
0x1f0: {  	[sflag:s30] =	ssyncset.done $0x0  }
0x1f1: {  	s0 =	rddreg [dreg:$0x8];
	[sflag:s30] =	ssyncadd.s32 $0xFFFF6000  }
0x1f2: {  	[hbm4b:s0+s2] =	stream.linear.scatter [tilespmem:s29], [sflag:$0x3], $0xA000, $0x38;
	[tilespmem:$0x18000] =	vst v63  }
0x1f3: {  	_ =	swait.ge [sflag:s24], $0xA000  }
0x1f4: {  	[sflag:s24] =	ssyncset.done $0x0  }
0x1f5: {  	[sflag:s24] =	ssyncadd.s32 $0xFFFF6000  }
0x1f6: {  	v5 =	vld [tilespmem:s16+$0x2000];
	_ =	sdelay $0x4  }
0x1f7: {  	v6 =	vshll.u32 v5, $0x2  }
0x1f8: {  	v5 =	vand.u32 $0x7, v5;
	v6 =	vand.u32 $0xFFFFFFE0, v6  }
0x1f9: {  	v5 =	vor.u32 v5, v6  }
0x1fa: {  	v6 =	vperm.xlane v5, v2;
	_ =	sdelay $0x1  }
0x1fb: {  	v6 =	vadd.s32 v3, v6;
	_ =	sdelay $0x1  }
0x1fc: {  	v5 =	vperm.xlane v5, v4;
	_ =	sdelay $0x1  }
0x1fd: {  	v5 =	vadd.s32 v3, v5  }
0x1fe: {  	[tilespmem:s29], [sflag:$0x2] =	stream.indirect_vreg.gather [hbm4b:s3+s2], $0x80, v6, vm0, $0xb8;
	[tilespmem:$0x18000] =	vst v63  }
0x1ff: {  	s0 =	simm.s32 $0xE800  }
0x200: {  	[tilespmem:s0], [sflag:$0x2] =	stream.indirect_vreg.gather [hbm4b:s7+s2], $0x80, v6, vm0, $0xb8;
	[tilespmem:$0x18000] =	vst v63  }
0x201: {  	s0 =	simm.s32 $0xF000  }
0x202: {  	[tilespmem:s0], [sflag:$0x2] =	stream.indirect_vreg.gather [hbm4b:s3+s2], $0x80, v5, vm0, $0xb8;
	[tilespmem:$0x18000] =	vst v63  }
0x203: {  	s0 =	simm.s32 $0xF800  }
0x204: {  	[tilespmem:s0], [sflag:$0x2] =	stream.indirect_vreg.gather [hbm4b:s7+s2], $0x80, v5, vm0, $0xb8;
	[tilespmem:$0x18000] =	vst v63  }
0x205: {  	v5 =	vld [tilespmem:s16+$0x2010];
	_ =	sdelay $0x4  }
0x206: {  	v6 =	vshll.u32 v5, $0x2  }
0x207: {  	v5 =	vand.u32 $0x7, v5;
	v6 =	vand.u32 $0xFFFFFFE0, v6  }
0x208: {  	v5 =	vor.u32 v5, v6  }
0x209: {  	v6 =	vperm.xlane v5, v2;
	_ =	sdelay $0x1  }
0x20a: {  	v6 =	vadd.s32 v3, v6;
	_ =	sdelay $0x1  }
0x20b: {  	v5 =	vperm.xlane v5, v4;
	_ =	sdelay $0x1  }
0x20c: {  	s0 =	simm.s32 $0x10000;
	v5 =	vadd.s32 v3, v5  }
0x20d: {  	[tilespmem:s0], [sflag:$0x2] =	stream.indirect_vreg.gather [hbm4b:s3+s2], $0x80, v6, vm0, $0xb8;
	[tilespmem:$0x18000] =	vst v63  }
0x20e: {  	s0 =	simm.s32 $0x10800  }
0x20f: {  	[tilespmem:s0], [sflag:$0x2] =	stream.indirect_vreg.gather [hbm4b:s7+s2], $0x80, v6, vm0, $0xb8;
	[tilespmem:$0x18000] =	vst v63  }
0x210: {  	s0 =	simm.s32 $0x11000  }
0x211: {  	[tilespmem:s0], [sflag:$0x2] =	stream.indirect_vreg.gather [hbm4b:s3+s2], $0x80, v5, vm0, $0xb8;
	[tilespmem:$0x18000] =	vst v63  }
0x212: {  	s0 =	simm.s32 $0x11800  }
0x213: {  	[tilespmem:s0], [sflag:$0x2] =	stream.indirect_vreg.gather [hbm4b:s7+s2], $0x80, v5, vm0, $0xb8;
	[tilespmem:$0x18000] =	vst v63  }
0x214: {  	v5 =	vld [tilespmem:s16+$0x2020];
	_ =	sdelay $0x4  }
0x215: {  	v6 =	vshll.u32 v5, $0x2  }
0x216: {  	v5 =	vand.u32 $0x7, v5;
	v6 =	vand.u32 $0xFFFFFFE0, v6  }
0x217: {  	v5 =	vor.u32 v5, v6  }
0x218: {  	v6 =	vperm.xlane v5, v2;
	_ =	sdelay $0x1  }
0x219: {  	v6 =	vadd.s32 v3, v6;
	_ =	sdelay $0x1  }
0x21a: {  	v5 =	vperm.xlane v5, v4;
	_ =	sdelay $0x1  }
0x21b: {  	s0 =	simm.s32 $0x12000;
	v5 =	vadd.s32 v3, v5  }
0x21c: {  	[tilespmem:s0], [sflag:$0x2] =	stream.indirect_vreg.gather [hbm4b:s3+s2], $0x80, v6, vm0, $0xb8;
	[tilespmem:$0x18000] =	vst v63  }
0x21d: {  	s0 =	simm.s32 $0x12800  }
0x21e: {  	[tilespmem:s0], [sflag:$0x2] =	stream.indirect_vreg.gather [hbm4b:s7+s2], $0x80, v6, vm0, $0xb8;
	[tilespmem:$0x18000] =	vst v63  }
0x21f: {  	s0 =	simm.s32 $0x13000  }
0x220: {  	[tilespmem:s0], [sflag:$0x2] =	stream.indirect_vreg.gather [hbm4b:s3+s2], $0x80, v5, vm0, $0xb8;
	[tilespmem:$0x18000] =	vst v63  }
0x221: {  	s0 =	simm.s32 $0x13800  }
0x222: {  	[tilespmem:s0], [sflag:$0x2] =	stream.indirect_vreg.gather [hbm4b:s7+s2], $0x80, v5, vm0, $0xb8;
	[tilespmem:$0x18000] =	vst v63  }
0x223: {  	v5 =	vld [tilespmem:s16+$0x2030];
	_ =	sdelay $0x4  }
0x224: {  	v6 =	vshll.u32 v5, $0x2  }
0x225: {  	v5 =	vand.u32 $0x7, v5;
	v6 =	vand.u32 $0xFFFFFFE0, v6  }
0x226: {  	v5 =	vor.u32 v5, v6  }
0x227: {  	v6 =	vperm.xlane v5, v2;
	_ =	sdelay $0x1  }
0x228: {  	v6 =	vadd.s32 v3, v6;
	_ =	sdelay $0x1  }
0x229: {  	v5 =	vperm.xlane v5, v4;
	_ =	sdelay $0x1  }
0x22a: {  	s0 =	simm.s32 $0x14000;
	v5 =	vadd.s32 v3, v5  }
0x22b: {  	[tilespmem:s0], [sflag:$0x2] =	stream.indirect_vreg.gather [hbm4b:s3+s2], $0x80, v6, vm0, $0xb8;
	[tilespmem:$0x18000] =	vst v63  }
0x22c: {  	s0 =	simm.s32 $0x14800  }
0x22d: {  	[tilespmem:s0], [sflag:$0x2] =	stream.indirect_vreg.gather [hbm4b:s7+s2], $0x80, v6, vm0, $0xb8;
	[tilespmem:$0x18000] =	vst v63  }
0x22e: {  	s0 =	simm.s32 $0x15000  }
0x22f: {  	[tilespmem:s0], [sflag:$0x2] =	stream.indirect_vreg.gather [hbm4b:s3+s2], $0x80, v5, vm0, $0xb8;
	[tilespmem:$0x18000] =	vst v63  }
0x230: {  	s0 =	simm.s32 $0x15800  }
0x231: {  	[tilespmem:s0], [sflag:$0x2] =	stream.indirect_vreg.gather [hbm4b:s7+s2], $0x80, v5, vm0, $0xb8;
	[tilespmem:$0x18000] =	vst v63  }
0x232: {  	v5 =	vld [tilespmem:s16+$0x2040];
	_ =	sdelay $0x4  }
0x233: {  	v6 =	vshll.u32 v5, $0x2  }
0x234: {  	v5 =	vand.u32 $0x7, v5;
	v6 =	vand.u32 $0xFFFFFFE0, v6  }
0x235: {  	v5 =	vor.u32 v5, v6  }
0x236: {  	v6 =	vperm.xlane v5, v2;
	_ =	sdelay $0x1  }
0x237: {  	v6 =	vadd.s32 v3, v6;
	_ =	sdelay $0x1  }
0x238: {  	v5 =	vperm.xlane v5, v4;
	_ =	sdelay $0x1  }
0x239: {  	s1 =	simm.s32 $0x5000;
	s0 =	simm.s32 $0x16000;
	v5 =	vadd.s32 v3, v5  }
0x23a: {  	[tilespmem:s0], [sflag:$0x2] =	stream.indirect_vreg.gather [hbm4b:s3+s2], $0x80, v6, vm0, $0xb8;
	[tilespmem:$0x18000] =	vst v63  }
0x23b: {  	s31 =	simm.s32 $0x5800;
	s23 =	simm.s32 $0x6000;
	s0 =	simm.s32 $0x16800  }
0x23c: {  	[tilespmem:s0], [sflag:$0x2] =	stream.indirect_vreg.gather [hbm4b:s7+s2], $0x80, v6, vm0, $0xb8;
	[tilespmem:$0x18000] =	vst v63  }
0x23d: {  	s20 =	simm.s32 $0x6800;
	s4 =	simm.s32 $0x7000;
	s0 =	simm.s32 $0x17000  }
0x23e: {  	[tilespmem:s0], [sflag:$0x2] =	stream.indirect_vreg.gather [hbm4b:s3+s2], $0x80, v5, vm0, $0xb8;
	[tilespmem:$0x18000] =	vst v63  }
0x23f: {  	s5 =	simm.s32 $0x7800;
	s9 =	simm.s32 $0x8000;
	s0 =	simm.s32 $0x17800  }
0x240: {  	[tilespmem:s0], [sflag:$0x2] =	stream.indirect_vreg.gather [hbm4b:s7+s2], $0x80, v5, vm0, $0xb8;
	[tilespmem:$0x18000] =	vst v63  }
0x241: {  	s11 =	simm.s32 $0x8800;
	s13 =	simm.s32 $0x9000;
	_ =	swait.ge [sflag:s26], $0xA000  }
0x242: {  	s15 =	simm.s32 $0x9800;
	s17 =	simm.s32 $0xA000;
	[sflag:s26] =	ssyncset.done $0x0  }
.Ltmp3:
0x243: {  	s0 =	rddreg [dreg:$0x9];
	[sflag:s26] =	ssyncadd.s32 $0xFFFF6000;
	(pc) =	sbr.rel @p1 .LBB2_5-.Ltmp3, $4  }
0x244: {  	[hbm4b:s0+s2] =	stream.linear.scatter [tilespmem:s22], [sflag:$0x3], $0xA000, $0x38;
	[tilespmem:$0x18000] =	vst v63  }
0x245: {  	s21 =	simm.s32 $0xA800;
	s19 =	simm.s32 $0xB000;
	_ =	swait.ge [sflag:s24], $0xA000  }
0x246: {  	s18 =	simm.s32 $0xB800;
	s25 =	simm.s32 $0xC000;
	[sflag:s24] =	ssyncset.done $0x0  }
0x247: {  	s6 =	simm.s32 $0xC800;
	s0 =	rddreg [dreg:$0xa];
	[sflag:s24] =	ssyncadd.s32 $0xFFFF6000  }
0x248: {  	s0 =	rddreg [dreg:$0xd]  }
0x249: {  	v5 =	vld [tilespmem:s0+$0x2000];
	_ =	sdelay $0x4  }
0x24a: {  	v6 =	vshll.u32 v5, $0x2  }
0x24b: {  	v5 =	vand.u32 $0x7, v5;
	v6 =	vand.u32 $0xFFFFFFE0, v6  }
0x24c: {  	v5 =	vor.u32 v5, v6  }
0x24d: {  	v6 =	vperm.xlane v5, v2;
	_ =	sdelay $0x1  }
0x24e: {  	v6 =	vadd.s32 v3, v6;
	_ =	sdelay $0x1  }
0x24f: {  	v5 =	vperm.xlane v5, v4;
	_ =	sdelay $0x1  }
0x250: {  	s29 =	simm.s32 $0x4000;
	v5 =	vadd.s32 v3, v5  }
0x251: {  	[tilespmem:s29], [sflag:$0x1] =	stream.indirect_vreg.gather [hbm4b:s3+s2], $0x80, v6, vm0, $0xb8;
	[tilespmem:$0x18000] =	vst v63  }
0x252: {  	s22 =	simm.s32 $0x4800  }
0x253: {  	[tilespmem:s22], [sflag:$0x1] =	stream.indirect_vreg.gather [hbm4b:s7+s2], $0x80, v6, vm0, $0xb8;
	[tilespmem:$0x18000] =	vst v63  }
0x254: {  	_ = 	snop  }
0x255: {  	[tilespmem:s1], [sflag:$0x1] =	stream.indirect_vreg.gather [hbm4b:s3+s2], $0x80, v5, vm0, $0xb8;
	[tilespmem:$0x18000] =	vst v63  }
0x256: {  	_ = 	snop  }
0x257: {  	[tilespmem:s31], [sflag:$0x1] =	stream.indirect_vreg.gather [hbm4b:s7+s2], $0x80, v5, vm0, $0xb8;
	[tilespmem:$0x18000] =	vst v63  }
0x258: {  	v5 =	vld [tilespmem:s0+$0x2010];
	_ =	sdelay $0x4  }
0x259: {  	v6 =	vshll.u32 v5, $0x2  }
0x25a: {  	v5 =	vand.u32 $0x7, v5;
	v6 =	vand.u32 $0xFFFFFFE0, v6  }
0x25b: {  	v5 =	vor.u32 v5, v6  }
0x25c: {  	v6 =	vperm.xlane v5, v2;
	_ =	sdelay $0x1  }
0x25d: {  	v6 =	vadd.s32 v3, v6;
	_ =	sdelay $0x1  }
0x25e: {  	v5 =	vperm.xlane v5, v4;
	_ =	sdelay $0x1  }
0x25f: {  	v5 =	vadd.s32 v3, v5  }
0x260: {  	[tilespmem:s23], [sflag:$0x1] =	stream.indirect_vreg.gather [hbm4b:s3+s2], $0x80, v6, vm0, $0xb8;
	[tilespmem:$0x18000] =	vst v63  }
0x261: {  	_ = 	snop  }
0x262: {  	[tilespmem:s20], [sflag:$0x1] =	stream.indirect_vreg.gather [hbm4b:s7+s2], $0x80, v6, vm0, $0xb8;
	[tilespmem:$0x18000] =	vst v63  }
0x263: {  	_ = 	snop  }
0x264: {  	[tilespmem:s4], [sflag:$0x1] =	stream.indirect_vreg.gather [hbm4b:s3+s2], $0x80, v5, vm0, $0xb8;
	[tilespmem:$0x18000] =	vst v63  }
0x265: {  	_ = 	snop  }
0x266: {  	[tilespmem:s5], [sflag:$0x1] =	stream.indirect_vreg.gather [hbm4b:s7+s2], $0x80, v5, vm0, $0xb8;
	[tilespmem:$0x18000] =	vst v63  }
0x267: {  	v5 =	vld [tilespmem:s0+$0x2020];
	_ =	sdelay $0x4  }
0x268: {  	v6 =	vshll.u32 v5, $0x2  }
0x269: {  	v5 =	vand.u32 $0x7, v5;
	v6 =	vand.u32 $0xFFFFFFE0, v6  }
0x26a: {  	v5 =	vor.u32 v5, v6  }
0x26b: {  	v6 =	vperm.xlane v5, v2;
	_ =	sdelay $0x1  }
0x26c: {  	v6 =	vadd.s32 v3, v6;
	_ =	sdelay $0x1  }
0x26d: {  	v5 =	vperm.xlane v5, v4;
	_ =	sdelay $0x1  }
0x26e: {  	v5 =	vadd.s32 v3, v5  }
0x26f: {  	[tilespmem:s9], [sflag:$0x1] =	stream.indirect_vreg.gather [hbm4b:s3+s2], $0x80, v6, vm0, $0xb8;
	[tilespmem:$0x18000] =	vst v63  }
0x270: {  	_ = 	snop  }
0x271: {  	[tilespmem:s11], [sflag:$0x1] =	stream.indirect_vreg.gather [hbm4b:s7+s2], $0x80, v6, vm0, $0xb8;
	[tilespmem:$0x18000] =	vst v63  }
0x272: {  	_ = 	snop  }
0x273: {  	[tilespmem:s13], [sflag:$0x1] =	stream.indirect_vreg.gather [hbm4b:s3+s2], $0x80, v5, vm0, $0xb8;
	[tilespmem:$0x18000] =	vst v63  }
0x274: {  	_ = 	snop  }
0x275: {  	[tilespmem:s15], [sflag:$0x1] =	stream.indirect_vreg.gather [hbm4b:s7+s2], $0x80, v5, vm0, $0xb8;
	[tilespmem:$0x18000] =	vst v63  }
0x276: {  	v5 =	vld [tilespmem:s0+$0x2030];
	_ =	sdelay $0x4  }
0x277: {  	v6 =	vshll.u32 v5, $0x2  }
0x278: {  	v5 =	vand.u32 $0x7, v5;
	v6 =	vand.u32 $0xFFFFFFE0, v6  }
0x279: {  	v5 =	vor.u32 v5, v6  }
0x27a: {  	v6 =	vperm.xlane v5, v2;
	_ =	sdelay $0x1  }
0x27b: {  	v6 =	vadd.s32 v3, v6;
	_ =	sdelay $0x1  }
0x27c: {  	v5 =	vperm.xlane v5, v4;
	_ =	sdelay $0x1  }
0x27d: {  	v5 =	vadd.s32 v3, v5  }
0x27e: {  	[tilespmem:s17], [sflag:$0x1] =	stream.indirect_vreg.gather [hbm4b:s3+s2], $0x80, v6, vm0, $0xb8;
	[tilespmem:$0x18000] =	vst v63  }
0x27f: {  	_ = 	snop  }
0x280: {  	[tilespmem:s21], [sflag:$0x1] =	stream.indirect_vreg.gather [hbm4b:s7+s2], $0x80, v6, vm0, $0xb8;
	[tilespmem:$0x18000] =	vst v63  }
0x281: {  	_ = 	snop  }
0x282: {  	[tilespmem:s19], [sflag:$0x1] =	stream.indirect_vreg.gather [hbm4b:s3+s2], $0x80, v5, vm0, $0xb8;
	[tilespmem:$0x18000] =	vst v63  }
0x283: {  	_ = 	snop  }
0x284: {  	[tilespmem:s18], [sflag:$0x1] =	stream.indirect_vreg.gather [hbm4b:s7+s2], $0x80, v5, vm0, $0xb8;
	[tilespmem:$0x18000] =	vst v63  }
0x285: {  	v5 =	vld [tilespmem:s0+$0x2040];
	_ =	sdelay $0x4  }
0x286: {  	v6 =	vshll.u32 v5, $0x2  }
0x287: {  	v5 =	vand.u32 $0x7, v5;
	v6 =	vand.u32 $0xFFFFFFE0, v6  }
0x288: {  	v5 =	vor.u32 v5, v6  }
0x289: {  	v6 =	vperm.xlane v5, v2;
	_ =	sdelay $0x1  }
0x28a: {  	v6 =	vadd.s32 v3, v6;
	_ =	sdelay $0x1  }
0x28b: {  	v5 =	vperm.xlane v5, v4;
	_ =	sdelay $0x1  }
0x28c: {  	v5 =	vadd.s32 v3, v5  }
0x28d: {  	[tilespmem:s25], [sflag:$0x1] =	stream.indirect_vreg.gather [hbm4b:s3+s2], $0x80, v6, vm0, $0xb8;
	[tilespmem:$0x18000] =	vst v63  }
0x28e: {  	_ = 	snop  }
0x28f: {  	[tilespmem:s6], [sflag:$0x1] =	stream.indirect_vreg.gather [hbm4b:s7+s2], $0x80, v6, vm0, $0xb8;
	[tilespmem:$0x18000] =	vst v63  }
0x290: {  	s21 =	simm.s32 $0xD000  }
0x291: {  	[tilespmem:s21], [sflag:$0x1] =	stream.indirect_vreg.gather [hbm4b:s3+s2], $0x80, v5, vm0, $0xb8;
	[tilespmem:$0x18000] =	vst v63  }
0x292: {  	s22 =	simm.s32 $0xD800;
	s23 =	simm.s32 $0x2  }
0x293: {  	[tilespmem:s22], [sflag:$0x1] =	stream.indirect_vreg.gather [hbm4b:s7+s2], $0x80, v5, vm0, $0xb8;
	[tilespmem:$0x18000] =	vst v63  }
0x294: {  	_ =	swait.ge [sflag:s23], $0xA000  }
0x295: {  	s31 =	simm.s32 $0xE000;
	[sflag:s23] =	ssyncset.done $0x0  }
.Ltmp4:
0x296: {  	s25 =	rddreg [dreg:$0xa];
	[sflag:s23] =	ssyncadd.s32 $0xFFFF6000;
	(pc) =	sbr.rel .LBB2_5-.Ltmp4, $4  }
0x297: {  	[hbm4b:s25+s2] =	stream.linear.scatter [tilespmem:s31], [sflag:$0x3], $0xA000, $0x38;
	[tilespmem:$0x18000] =	vst v63  }
0x298: {  	_ =	swait.ge [sflag:s24], $0xA000  }
0x299: {  	[sflag:s24] =	ssyncset.done $0x0  }
0x29a: {  	s30 =	simm.s32 $0x1;
	s0 =	rddreg [dreg:$0xb];
	[sflag:s24] =	ssyncadd.s32 $0xFFFF6000  }
.LBB2_6:
0x29b: {  	_ =	sfence.sel $0x180000  }
0x29c: {  	[bflag:$0x0] =	sbarrier.arrive $0xFFFF  }
0x29d: {  	_ =	strace $0x90000047  }
0x29e: {  	s0 =	stileid.u32;
	[bflag:$0x2] =	sbarrier.arrive $0xFFFF  }
0x29f: {  	p0 =	sne.s32 s0, $0x0;
	s0 =	rddreg [dreg:$0x2]  }
0x2a0: {  	s0 =	sadd.s32 @!p0 $0x100000, s0  }
0x2a1: {  	[sflag:s0] =	ssyncadd.tile.s32 @!p0 $0x1;
	_ =	shalt  }
.Lfunc_end2:
_tile_overlayer_lowered:
.L_overlay_start_2:
0x2a2: {  	(tag) =	ssettag $0x2  }
0x2a3: {  	s0 =	rddreg [dreg:$0x0];
	s2 =	stileid.u32  }
0x2a4: {  	s1 =	rddreg [dreg:$0x1];
	p0 =	sne.s32 s2, $0x0  }
0x2a5: {  	s3 =	rddreg [dreg:$0x2];
	[bflag:$0x3] =	sbarrier.arrive $0xFFFF;
	s2 =	simm.s32 @!p0 $0x1C03  }
0x2a6: {  	[timem:s3], [sflag:s2] =	dma.local @!p0 [hbm:s0], s1  }
0x2a7: {  	s0 =	simm.s32 @!p0 $0x3  }
0x2a8: {  	_ =	swait.ge @!p0 [sflag:s0], s1  }
0x2a9: {  	s1 =	ssub.s32 @!p0 $0x0, s1;
	[sflag:s0] =	ssyncset.done @!p0 $0x0  }
0x2aa: {  	[sflag:s0] =	ssyncadd.s32 @!p0 s1  }
0x2ab: {  	[bflag:$0x3] =	sbarrier.arrive $0xFFFF  }
0x2ac: {  	_ =	shalt  }

</sc_bundles>
